<compile_context>
chip_gen: v7x
topology: tpu7x:2x2x1
jax: 0.10.2.dev20260603
libtpu: 0.0.44.dev20260713+nightly
codegen_flags: <defaults>
</compile_context>

<pallas_src>
import functools

import numpy as np

import jax
import jax.numpy as jnp
from jax import lax
from jax.experimental import pallas as pl
from jax.experimental.pallas import tpu as pltpu
from jax.experimental.pallas import tpu_sc as plsc

_NEG = np.float32(-3.0e38)


def _make_sc_counts(m, n, num_segments):
    mesh = plsc.VectorSubcoreMesh(core_axis_name="c", subcore_axis_name="s")

    @functools.partial(
        pl.kernel,
        out_type=jax.ShapeDtypeStruct((2, num_segments, n), jnp.float32),
        mesh=mesh,
        compiler_params=pltpu.CompilerParams(needs_layout_passes=False),
        scratch_types=[
            pltpu.VMEM((m,), jnp.int32),
            pltpu.VMEM((m + 32,), jnp.int32),
            pltpu.VMEM((n,), jnp.float32),
        ],
    )
    def sc_kernel(idx_hbm, seg_hbm, c_out, seg_v, idx_v, crow_v):
        c = lax.axis_index("c")
        t = lax.axis_index("s")
        pltpu.sync_copy(seg_hbm, seg_v)
        pltpu.sync_copy(idx_hbm, idx_v.at[pl.ds(0, m)])
        lanes = lax.iota(jnp.int32, 16)
        one = jnp.float32(1.0)
        nil = jnp.float32(0.0)
        zf16 = jnp.zeros((16,), jnp.float32)
        ones16 = jnp.full((16,), 1.0, jnp.float32)

        def cz_body(k, carry):
            s_acc, e_acc = carry
            v = seg_v[pl.ds(k * 16, 16)]
            crow_v[pl.ds(k * 16, 16)] = zf16
            s_acc = s_acc + jnp.where(v < t, one, nil)
            e_acc = e_acc + jnp.where(v <= t, one, nil)
            return s_acc, e_acc

        assert m == n and m % 16 == 0
        s_acc, e_acc = lax.fori_loop(0, m // 16, cz_body, (zf16, zf16), unroll=8)
        start = jnp.sum(s_acc).astype(jnp.int32)
        end = jnp.sum(e_acc).astype(jnp.int32)

        mid = (start + end) // 2
        h0 = jnp.where(c == 0, start, mid)
        h1 = jnp.where(c == 0, mid, end)
        nch = (h1 - h0 + 31) // 32

        def sc_body(i, carry):
            pos = h0 + i * 32
            valid0 = (lanes + pos) < h1
            valid1 = (lanes + (pos + 16)) < h1
            iv0 = idx_v[pl.ds(pos, 16)]
            iv1 = idx_v[pl.ds(pos + 16, 16)]
            plsc.addupdate_scatter(crow_v, [iv0], ones16, mask=valid0)
            plsc.addupdate_scatter(crow_v, [iv1], ones16, mask=valid1)
            return carry

        lax.fori_loop(0, nch, sc_body, 0)
        pltpu.sync_copy(crow_v, c_out.at[c, t])

    return sc_kernel


def _fused_body(z_ref, w_ref, c2_ref, out_ref, out_run, m_run, d_run):
    k = pl.program_id(0)
    nseg = c2_ref.shape[1]
    blk = c2_ref.shape[2]
    cb = c2_ref[0] + c2_ref[1]

    @pl.when(k == 0)
    def _():
        m_run[...] = jnp.full((nseg, 1), _NEG, jnp.float32)
        d_run[...] = jnp.zeros((nseg, 1), jnp.float32)
        out_run[...] = jnp.zeros_like(out_run)

    y_blk = lax.dot_general(
        w_ref[...], z_ref[...], (((1,), (1,)), ((), ())),
        preferred_element_type=jnp.float32,
    )
    yb = jnp.broadcast_to(y_blk, (nseg, blk))
    ymasked = jnp.where(cb > 0.0, yb, _NEG)
    bmax = jnp.max(ymasked, axis=1, keepdims=True)
    m_new = jnp.maximum(m_run[...], bmax)
    scale = jnp.exp(m_run[...] - m_new)
    e_blk = jnp.where(cb > 0.0, cb * jnp.exp(yb - m_new), 0.0)
    d_run[...] = d_run[...] * scale + jnp.sum(e_blk, axis=1, keepdims=True)
    part = jnp.dot(
        e_blk.astype(jnp.bfloat16),
        z_ref[...].astype(jnp.bfloat16),
        preferred_element_type=jnp.float32,
    )
    out_run[...] = out_run[...] * scale + part
    m_run[...] = m_new

    @pl.when(k == pl.num_programs(0) - 1)
    def _():
        d_fin = jnp.where(d_run[...] == 0.0, 1.0, d_run[...])
        out_ref[...] = out_run[...] / d_fin


def _fused_tc(z, w, c2, num_segments):
    n, dim = z.shape
    blk = 2048
    grid = n // blk
    return pl.pallas_call(
        _fused_body,
        grid=(grid,),
        in_specs=[
            pl.BlockSpec((blk, dim), lambda k: (k, 0)),
            pl.BlockSpec((1, dim), lambda k: (0, 0)),
            pl.BlockSpec((2, num_segments, blk), lambda k: (0, 0, k)),
        ],
        out_specs=pl.BlockSpec((num_segments, dim), lambda k: (0, 0)),
        out_shape=jax.ShapeDtypeStruct((num_segments, dim), jnp.float32),
        scratch_shapes=[
            pltpu.VMEM((num_segments, dim), jnp.float32),
            pltpu.VMEM((num_segments, 1), jnp.float32),
            pltpu.VMEM((num_segments, 1), jnp.float32),
        ],
    )(z, w.reshape(1, dim), c2)


def kernel(z, w_attn, b_attn, flat_idx, segment_ids):
    del b_attn
    n, dim = z.shape
    (m,) = flat_idx.shape
    num_segments = 16
    idx32 = flat_idx.astype(jnp.int32)
    seg32 = segment_ids.astype(jnp.int32)
    c2 = _make_sc_counts(m, n, num_segments)(idx32, seg32)
    return _fused_tc(z, w_attn, c2, num_segments)

# --- scband reference (transcript-rebuilt; emitter-appended) ---
"""Pipeline reference for scband-set-pool-71253507441381 (READ-ONLY COPY).

The authoritative reference and input builder live on the scoring server;
editing this copy changes nothing except your own understanding.
"""

import jax, jax.numpy as jnp
import numpy as np

B = 16
DIM = 1024
M = 16384
N = 16384

def setup_inputs(seed: int = 0) -> dict:
    key = jax.random.key(seed)
    k1, k2, k3, k4 = jax.random.split(key, 4)
    z = jax.random.normal(k1, (N, DIM), dtype=jnp.float32)
    flat_idx = jax.random.randint(k2, (M,), 0, N, dtype=jnp.int64)
    segment_ids = jnp.sort(jax.random.randint(k3, (M,), 0, B, dtype=jnp.int64))
    # attn linear params: Linear(dim, 1)
    w_attn = jax.random.normal(k4, (DIM,), dtype=jnp.float32) / np.sqrt(DIM)
    b_attn = jnp.zeros((1,), dtype=jnp.float32)
    return {"z": z, "w_attn": w_attn, "b_attn": b_attn, "flat_idx": flat_idx, "segment_ids": segment_ids}

def reference(z, w_attn, b_attn, flat_idx, segment_ids):
    # Ragged SetPool with attention aggregation.
    # idx_list is represented as (flat_idx, segment_ids): flat_idx gathers rows of z,
    # segment_ids (sorted) assigns each gathered row to one of B output sets.
    sub = jnp.take(z, flat_idx, axis=0)                      # [M, DIM]  (gather)
    logits = sub @ w_attn + b_attn[0]                        # [M]  attn scores
    # segment-wise softmax
    seg_max = jax.ops.segment_max(logits, segment_ids, num_segments=B)
    seg_max = jnp.where(jnp.isfinite(seg_max), seg_max, 0.0)  # empty segments -> 0
    e = jnp.exp(logits - seg_max[segment_ids])               # [M]
    denom = jax.ops.segment_sum(e, segment_ids, num_segments=B)  # [B]
    denom_safe = jnp.where(denom == 0.0, 1.0, denom)
    w = e / denom_safe[segment_ids]                          # [M]
    out = jax.ops.segment_sum(sub * w[:, None], segment_ids, num_segments=B)  # [B, DIM]
    # empty sets yield zeros (segment_sum of nothing), matching torch.zeros branch
    return out

if __name__ == "__main__":
    import jax
    _d = setup_inputs()
    print(jax.jit(kernel)(*tuple(_d.values())))

</pallas_src>

<mosaic_0001>
#map = affine_map<(d0, d1) -> (0)>
#map1 = affine_map<(d0, d1) -> (0, 0, 0)>
module attributes {stable_mosaic.version = 14 : i64} {
  func.func @sc_kernel(%arg0: i32, %arg1: i32, %arg2: memref<16384xi32, #tpu.memory_space<hbm>>, %arg3: memref<16384xi32, #tpu.memory_space<hbm>>, %arg4: memref<2x16x16384xf32, #tpu.memory_space<hbm>>, %arg5: memref<16384xi32, #tpu.memory_space<vmem>>, %arg6: memref<16416xi32, #tpu.memory_space<vmem>>, %arg7: memref<16384xf32, #tpu.memory_space<vmem>>) attributes {dimension_semantics = [#tpu.dimension_semantics<core_parallel>, #tpu.dimension_semantics<subcore_parallel>], iteration_bounds = array<i64: 2, 16>, scalar_prefetch = 0 : i64, scratch_operands = 3 : i64, tpu.core_type = #tpu.core_type<sc_vector_subcore>, window_params = [{transform_indices = #map}, {transform_indices = #map}, {transform_indices = #map1}]} {
    "tpu.region"() ({
      %run_scoped3A = tpu.sem_alloc : memref<!tpu.dma_semaphore, #tpu.memory_space<semaphore_mem>>
      tpu.enqueue_dma source(%arg3 : memref<16384xi32, #tpu.memory_space<hbm>>) target(%arg5 : memref<16384xi32, #tpu.memory_space<vmem>>) target_semaphore(%run_scoped3A : memref<!tpu.dma_semaphore, #tpu.memory_space<semaphore_mem>>)
      tpu.wait_dma2 semaphore(%run_scoped3A : memref<!tpu.dma_semaphore, #tpu.memory_space<semaphore_mem>>) src(%arg3 : memref<16384xi32, #tpu.memory_space<hbm>>) dst(%arg5 : memref<16384xi32, #tpu.memory_space<vmem>>)
      tpu.yield
    }) : () -> ()
    "tpu.region"() ({
      %run_scoped3A = tpu.sem_alloc : memref<!tpu.dma_semaphore, #tpu.memory_space<semaphore_mem>>
      %dma_start3A = arith.constant 0 : i32
      %dma_start3A_75 = tpu.memref_slice %arg6[%dma_start3A] : memref<16416xi32, #tpu.memory_space<vmem>> -> memref<16384xi32, #tpu.memory_space<vmem>>
      %dma_start3A_76 = arith.constant 0 : i32
      %dma_start3A_77 = tpu.memref_slice %arg6[%dma_start3A_76] : memref<16416xi32, #tpu.memory_space<vmem>> -> memref<16384xi32, #tpu.memory_space<vmem>>
      tpu.enqueue_dma source(%arg2 : memref<16384xi32, #tpu.memory_space<hbm>>) target(%dma_start3A_77 : memref<16384xi32, #tpu.memory_space<vmem>>) target_semaphore(%run_scoped3A : memref<!tpu.dma_semaphore, #tpu.memory_space<semaphore_mem>>)
      %dma_wait3A = arith.constant 0 : i32
      %dma_wait3A_78 = tpu.memref_slice %arg6[%dma_wait3A] : memref<16416xi32, #tpu.memory_space<vmem>> -> memref<16384xi32, #tpu.memory_space<vmem>>
      %dma_wait3A_79 = arith.constant 0 : i32
      %dma_wait3A_80 = tpu.memref_slice %arg6[%dma_wait3A_79] : memref<16416xi32, #tpu.memory_space<vmem>> -> memref<16384xi32, #tpu.memory_space<vmem>>
      tpu.wait_dma2 semaphore(%run_scoped3A : memref<!tpu.dma_semaphore, #tpu.memory_space<semaphore_mem>>) src(%arg2 : memref<16384xi32, #tpu.memory_space<hbm>>) dst(%dma_wait3A_80 : memref<16384xi32, #tpu.memory_space<vmem>>)
      tpu.yield
    }) : () -> ()
    %iota3A = tpu.iota {dimensions = array<i32: 0>} : vector<16xi32>
    %broadcast_in_dim3A = arith.constant 0.000000e+00 : f32
    %broadcast_in_dim3A_0 = vector.broadcast %broadcast_in_dim3A : f32 to vector<16xf32>
    %broadcast_in_dim3A_1 = arith.constant 1.000000e+00 : f32
    %broadcast_in_dim3A_2 = vector.broadcast %broadcast_in_dim3A_1 : f32 to vector<16xf32>
    %scan3A = arith.constant 1.000000e+00 : f32
    %scan3A_3 = arith.constant 0.000000e+00 : f32
    %scan3A_4 = arith.constant 0 : i32
    %scan3A_5 = arith.constant 1024 : i32
    %scan3A_6 = arith.addi %scan3A_4, %scan3A_5 : i32
    %scan3A_7 = arith.constant 8 : i32
    %scan3A_8:2 = scf.for %scan3A_75 = %scan3A_4 to %scan3A_6 step %scan3A_7 iter_args(%scan3A_76 = %broadcast_in_dim3A_0, %scan3A_77 = %broadcast_in_dim3A_0) -> (vector<16xf32>, vector<16xf32>)  : i32 {
      %mul3A = arith.constant 16 : i32
      %mul3A_78 = arith.muli %scan3A_75, %mul3A : i32
      %get3A = arith.index_cast %mul3A_78 : i32 to index
      %get3A_79 = tpu.vector_load %arg5[%get3A] {strides = array<i32>} : memref<16384xi32, #tpu.memory_space<vmem>>, vector<16xi32>,
      %mul3A_80 = arith.constant 16 : i32
      %mul3A_81 = arith.muli %scan3A_75, %mul3A_80 : i32
      %swap3A = arith.index_cast %mul3A_81 : i32 to index
      %swap3A_82 = tpu.vector_load %arg7[%swap3A] {strides = array<i32>} : memref<16384xf32, #tpu.memory_space<vmem>>, vector<16xf32>,
      tpu.vector_store %arg7[%swap3A], %broadcast_in_dim3A_0 {strides = array<i32>} : memref<16384xf32, #tpu.memory_space<vmem>>, vector<16xf32>,
      %lt3A = vector.broadcast %arg1 : i32 to vector<16xi32>
      %lt3A_83 = arith.cmpi slt, %get3A_79, %lt3A : vector<16xi32>
      %broadcast_in_dim3A_84 = vector.broadcast %scan3A : f32 to vector<16xf32>
      %broadcast_in_dim3A_85 = vector.broadcast %scan3A_3 : f32 to vector<16xf32>
      %select_n3A_86 = arith.select %lt3A_83, %broadcast_in_dim3A_84, %broadcast_in_dim3A_85 : vector<16xi1>, vector<16xf32>
      %add3A_87 = arith.addf %scan3A_76, %select_n3A_86 : vector<16xf32>
      %le3A = vector.broadcast %arg1 : i32 to vector<16xi32>
      %le3A_88 = arith.cmpi sle, %get3A_79, %le3A : vector<16xi32>
      %broadcast_in_dim3A_89 = vector.broadcast %scan3A : f32 to vector<16xf32>
      %broadcast_in_dim3A_90 = vector.broadcast %scan3A_3 : f32 to vector<16xf32>
      %select_n3A_91 = arith.select %le3A_88, %broadcast_in_dim3A_89, %broadcast_in_dim3A_90 : vector<16xi1>, vector<16xf32>
      %add3A_92 = arith.addf %scan3A_77, %select_n3A_91 : vector<16xf32>
      %scan3A_93 = arith.constant 1 : i32
      %scan3A_94 = arith.addi %scan3A_75, %scan3A_93 : i32
      %mul3A_95 = arith.constant 16 : i32
      %mul3A_96 = arith.muli %scan3A_94, %mul3A_95 : i32
      %get3A_97 = arith.index_cast %mul3A_96 : i32 to index
      %get3A_98 = tpu.vector_load %arg5[%get3A_97] {strides = array<i32>} : memref<16384xi32, #tpu.memory_space<vmem>>, vector<16xi32>,
      %mul3A_99 = arith.constant 16 : i32
      %mul3A_100 = arith.muli %scan3A_94, %mul3A_99 : i32
      %swap3A_101 = arith.index_cast %mul3A_100 : i32 to index
      %swap3A_102 = tpu.vector_load %arg7[%swap3A_101] {strides = array<i32>} : memref<16384xf32, #tpu.memory_space<vmem>>, vector<16xf32>,
      tpu.vector_store %arg7[%swap3A_101], %broadcast_in_dim3A_0 {strides = array<i32>} : memref<16384xf32, #tpu.memory_space<vmem>>, vector<16xf32>,
      %lt3A_103 = vector.broadcast %arg1 : i32 to vector<16xi32>
      %lt3A_104 = arith.cmpi slt, %get3A_98, %lt3A_103 : vector<16xi32>
      %broadcast_in_dim3A_105 = vector.broadcast %scan3A : f32 to vector<16xf32>
      %broadcast_in_dim3A_106 = vector.broadcast %scan3A_3 : f32 to vector<16xf32>
      %select_n3A_107 = arith.select %lt3A_104, %broadcast_in_dim3A_105, %broadcast_in_dim3A_106 : vector<16xi1>, vector<16xf32>
      %add3A_108 = arith.addf %add3A_87, %select_n3A_107 : vector<16xf32>
      %le3A_109 = vector.broadcast %arg1 : i32 to vector<16xi32>
      %le3A_110 = arith.cmpi sle, %get3A_98, %le3A_109 : vector<16xi32>
      %broadcast_in_dim3A_111 = vector.broadcast %scan3A : f32 to vector<16xf32>
      %broadcast_in_dim3A_112 = vector.broadcast %scan3A_3 : f32 to vector<16xf32>
      %select_n3A_113 = arith.select %le3A_110, %broadcast_in_dim3A_111, %broadcast_in_dim3A_112 : vector<16xi1>, vector<16xf32>
      %add3A_114 = arith.addf %add3A_92, %select_n3A_113 : vector<16xf32>
      %scan3A_115 = arith.constant 2 : i32
      %scan3A_116 = arith.addi %scan3A_75, %scan3A_115 : i32
      %mul3A_117 = arith.constant 16 : i32
      %mul3A_118 = arith.muli %scan3A_116, %mul3A_117 : i32
      %get3A_119 = arith.index_cast %mul3A_118 : i32 to index
      %get3A_120 = tpu.vector_load %arg5[%get3A_119] {strides = array<i32>} : memref<16384xi32, #tpu.memory_space<vmem>>, vector<16xi32>,
      %mul3A_121 = arith.constant 16 : i32
      %mul3A_122 = arith.muli %scan3A_116, %mul3A_121 : i32
      %swap3A_123 = arith.index_cast %mul3A_122 : i32 to index
      %swap3A_124 = tpu.vector_load %arg7[%swap3A_123] {strides = array<i32>} : memref<16384xf32, #tpu.memory_space<vmem>>, vector<16xf32>,
      tpu.vector_store %arg7[%swap3A_123], %broadcast_in_dim3A_0 {strides = array<i32>} : memref<16384xf32, #tpu.memory_space<vmem>>, vector<16xf32>,
      %lt3A_125 = vector.broadcast %arg1 : i32 to vector<16xi32>
      %lt3A_126 = arith.cmpi slt, %get3A_120, %lt3A_125 : vector<16xi32>
      %broadcast_in_dim3A_127 = vector.broadcast %scan3A : f32 to vector<16xf32>
      %broadcast_in_dim3A_128 = vector.broadcast %scan3A_3 : f32 to vector<16xf32>
      %select_n3A_129 = arith.select %lt3A_126, %broadcast_in_dim3A_127, %broadcast_in_dim3A_128 : vector<16xi1>, vector<16xf32>
      %add3A_130 = arith.addf %add3A_108, %select_n3A_129 : vector<16xf32>
      %le3A_131 = vector.broadcast %arg1 : i32 to vector<16xi32>
      %le3A_132 = arith.cmpi sle, %get3A_120, %le3A_131 : vector<16xi32>
      %broadcast_in_dim3A_133 = vector.broadcast %scan3A : f32 to vector<16xf32>
      %broadcast_in_dim3A_134 = vector.broadcast %scan3A_3 : f32 to vector<16xf32>
      %select_n3A_135 = arith.select %le3A_132, %broadcast_in_dim3A_133, %broadcast_in_dim3A_134 : vector<16xi1>, vector<16xf32>
      %add3A_136 = arith.addf %add3A_114, %select_n3A_135 : vector<16xf32>
      %scan3A_137 = arith.constant 3 : i32
      %scan3A_138 = arith.addi %scan3A_75, %scan3A_137 : i32
      %mul3A_139 = arith.constant 16 : i32
      %mul3A_140 = arith.muli %scan3A_138, %mul3A_139 : i32
      %get3A_141 = arith.index_cast %mul3A_140 : i32 to index
      %get3A_142 = tpu.vector_load %arg5[%get3A_141] {strides = array<i32>} : memref<16384xi32, #tpu.memory_space<vmem>>, vector<16xi32>,
      %mul3A_143 = arith.constant 16 : i32
      %mul3A_144 = arith.muli %scan3A_138, %mul3A_143 : i32
      %swap3A_145 = arith.index_cast %mul3A_144 : i32 to index
      %swap3A_146 = tpu.vector_load %arg7[%swap3A_145] {strides = array<i32>} : memref<16384xf32, #tpu.memory_space<vmem>>, vector<16xf32>,
      tpu.vector_store %arg7[%swap3A_145], %broadcast_in_dim3A_0 {strides = array<i32>} : memref<16384xf32, #tpu.memory_space<vmem>>, vector<16xf32>,
      %lt3A_147 = vector.broadcast %arg1 : i32 to vector<16xi32>
      %lt3A_148 = arith.cmpi slt, %get3A_142, %lt3A_147 : vector<16xi32>
      %broadcast_in_dim3A_149 = vector.broadcast %scan3A : f32 to vector<16xf32>
      %broadcast_in_dim3A_150 = vector.broadcast %scan3A_3 : f32 to vector<16xf32>
      %select_n3A_151 = arith.select %lt3A_148, %broadcast_in_dim3A_149, %broadcast_in_dim3A_150 : vector<16xi1>, vector<16xf32>
      %add3A_152 = arith.addf %add3A_130, %select_n3A_151 : vector<16xf32>
      %le3A_153 = vector.broadcast %arg1 : i32 to vector<16xi32>
      %le3A_154 = arith.cmpi sle, %get3A_142, %le3A_153 : vector<16xi32>
      %broadcast_in_dim3A_155 = vector.broadcast %scan3A : f32 to vector<16xf32>
      %broadcast_in_dim3A_156 = vector.broadcast %scan3A_3 : f32 to vector<16xf32>
      %select_n3A_157 = arith.select %le3A_154, %broadcast_in_dim3A_155, %broadcast_in_dim3A_156 : vector<16xi1>, vector<16xf32>
      %add3A_158 = arith.addf %add3A_136, %select_n3A_157 : vector<16xf32>
      %scan3A_159 = arith.constant 4 : i32
      %scan3A_160 = arith.addi %scan3A_75, %scan3A_159 : i32
      %mul3A_161 = arith.constant 16 : i32
      %mul3A_162 = arith.muli %scan3A_160, %mul3A_161 : i32
      %get3A_163 = arith.index_cast %mul3A_162 : i32 to index
      %get3A_164 = tpu.vector_load %arg5[%get3A_163] {strides = array<i32>} : memref<16384xi32, #tpu.memory_space<vmem>>, vector<16xi32>,
      %mul3A_165 = arith.constant 16 : i32
      %mul3A_166 = arith.muli %scan3A_160, %mul3A_165 : i32
      %swap3A_167 = arith.index_cast %mul3A_166 : i32 to index
      %swap3A_168 = tpu.vector_load %arg7[%swap3A_167] {strides = array<i32>} : memref<16384xf32, #tpu.memory_space<vmem>>, vector<16xf32>,
      tpu.vector_store %arg7[%swap3A_167], %broadcast_in_dim3A_0 {strides = array<i32>} : memref<16384xf32, #tpu.memory_space<vmem>>, vector<16xf32>,
      %lt3A_169 = vector.broadcast %arg1 : i32 to vector<16xi32>
      %lt3A_170 = arith.cmpi slt, %get3A_164, %lt3A_169 : vector<16xi32>
      %broadcast_in_dim3A_171 = vector.broadcast %scan3A : f32 to vector<16xf32>
      %broadcast_in_dim3A_172 = vector.broadcast %scan3A_3 : f32 to vector<16xf32>
      %select_n3A_173 = arith.select %lt3A_170, %broadcast_in_dim3A_171, %broadcast_in_dim3A_172 : vector<16xi1>, vector<16xf32>
      %add3A_174 = arith.addf %add3A_152, %select_n3A_173 : vector<16xf32>
      %le3A_175 = vector.broadcast %arg1 : i32 to vector<16xi32>
      %le3A_176 = arith.cmpi sle, %get3A_164, %le3A_175 : vector<16xi32>
      %broadcast_in_dim3A_177 = vector.broadcast %scan3A : f32 to vector<16xf32>
      %broadcast_in_dim3A_178 = vector.broadcast %scan3A_3 : f32 to vector<16xf32>
      %select_n3A_179 = arith.select %le3A_176, %broadcast_in_dim3A_177, %broadcast_in_dim3A_178 : vector<16xi1>, vector<16xf32>
      %add3A_180 = arith.addf %add3A_158, %select_n3A_179 : vector<16xf32>
      %scan3A_181 = arith.constant 5 : i32
      %scan3A_182 = arith.addi %scan3A_75, %scan3A_181 : i32
      %mul3A_183 = arith.constant 16 : i32
      %mul3A_184 = arith.muli %scan3A_182, %mul3A_183 : i32
      %get3A_185 = arith.index_cast %mul3A_184 : i32 to index
      %get3A_186 = tpu.vector_load %arg5[%get3A_185] {strides = array<i32>} : memref<16384xi32, #tpu.memory_space<vmem>>, vector<16xi32>,
      %mul3A_187 = arith.constant 16 : i32
      %mul3A_188 = arith.muli %scan3A_182, %mul3A_187 : i32
      %swap3A_189 = arith.index_cast %mul3A_188 : i32 to index
      %swap3A_190 = tpu.vector_load %arg7[%swap3A_189] {strides = array<i32>} : memref<16384xf32, #tpu.memory_space<vmem>>, vector<16xf32>,
      tpu.vector_store %arg7[%swap3A_189], %broadcast_in_dim3A_0 {strides = array<i32>} : memref<16384xf32, #tpu.memory_space<vmem>>, vector<16xf32>,
      %lt3A_191 = vector.broadcast %arg1 : i32 to vector<16xi32>
      %lt3A_192 = arith.cmpi slt, %get3A_186, %lt3A_191 : vector<16xi32>
      %broadcast_in_dim3A_193 = vector.broadcast %scan3A : f32 to vector<16xf32>
      %broadcast_in_dim3A_194 = vector.broadcast %scan3A_3 : f32 to vector<16xf32>
      %select_n3A_195 = arith.select %lt3A_192, %broadcast_in_dim3A_193, %broadcast_in_dim3A_194 : vector<16xi1>, vector<16xf32>
      %add3A_196 = arith.addf %add3A_174, %select_n3A_195 : vector<16xf32>
      %le3A_197 = vector.broadcast %arg1 : i32 to vector<16xi32>
      %le3A_198 = arith.cmpi sle, %get3A_186, %le3A_197 : vector<16xi32>
      %broadcast_in_dim3A_199 = vector.broadcast %scan3A : f32 to vector<16xf32>
      %broadcast_in_dim3A_200 = vector.broadcast %scan3A_3 : f32 to vector<16xf32>
      %select_n3A_201 = arith.select %le3A_198, %broadcast_in_dim3A_199, %broadcast_in_dim3A_200 : vector<16xi1>, vector<16xf32>
      %add3A_202 = arith.addf %add3A_180, %select_n3A_201 : vector<16xf32>
      %scan3A_203 = arith.constant 6 : i32
      %scan3A_204 = arith.addi %scan3A_75, %scan3A_203 : i32
      %mul3A_205 = arith.constant 16 : i32
      %mul3A_206 = arith.muli %scan3A_204, %mul3A_205 : i32
      %get3A_207 = arith.index_cast %mul3A_206 : i32 to index
      %get3A_208 = tpu.vector_load %arg5[%get3A_207] {strides = array<i32>} : memref<16384xi32, #tpu.memory_space<vmem>>, vector<16xi32>,
      %mul3A_209 = arith.constant 16 : i32
      %mul3A_210 = arith.muli %scan3A_204, %mul3A_209 : i32
      %swap3A_211 = arith.index_cast %mul3A_210 : i32 to index
      %swap3A_212 = tpu.vector_load %arg7[%swap3A_211] {strides = array<i32>} : memref<16384xf32, #tpu.memory_space<vmem>>, vector<16xf32>,
      tpu.vector_store %arg7[%swap3A_211], %broadcast_in_dim3A_0 {strides = array<i32>} : memref<16384xf32, #tpu.memory_space<vmem>>, vector<16xf32>,
      %lt3A_213 = vector.broadcast %arg1 : i32 to vector<16xi32>
      %lt3A_214 = arith.cmpi slt, %get3A_208, %lt3A_213 : vector<16xi32>
      %broadcast_in_dim3A_215 = vector.broadcast %scan3A : f32 to vector<16xf32>
      %broadcast_in_dim3A_216 = vector.broadcast %scan3A_3 : f32 to vector<16xf32>
      %select_n3A_217 = arith.select %lt3A_214, %broadcast_in_dim3A_215, %broadcast_in_dim3A_216 : vector<16xi1>, vector<16xf32>
      %add3A_218 = arith.addf %add3A_196, %select_n3A_217 : vector<16xf32>
      %le3A_219 = vector.broadcast %arg1 : i32 to vector<16xi32>
      %le3A_220 = arith.cmpi sle, %get3A_208, %le3A_219 : vector<16xi32>
      %broadcast_in_dim3A_221 = vector.broadcast %scan3A : f32 to vector<16xf32>
      %broadcast_in_dim3A_222 = vector.broadcast %scan3A_3 : f32 to vector<16xf32>
      %select_n3A_223 = arith.select %le3A_220, %broadcast_in_dim3A_221, %broadcast_in_dim3A_222 : vector<16xi1>, vector<16xf32>
      %add3A_224 = arith.addf %add3A_202, %select_n3A_223 : vector<16xf32>
      %scan3A_225 = arith.constant 7 : i32
      %scan3A_226 = arith.addi %scan3A_75, %scan3A_225 : i32
      %mul3A_227 = arith.constant 16 : i32
      %mul3A_228 = arith.muli %scan3A_226, %mul3A_227 : i32
      %get3A_229 = arith.index_cast %mul3A_228 : i32 to index
      %get3A_230 = tpu.vector_load %arg5[%get3A_229] {strides = array<i32>} : memref<16384xi32, #tpu.memory_space<vmem>>, vector<16xi32>,
      %mul3A_231 = arith.constant 16 : i32
      %mul3A_232 = arith.muli %scan3A_226, %mul3A_231 : i32
      %swap3A_233 = arith.index_cast %mul3A_232 : i32 to index
      %swap3A_234 = tpu.vector_load %arg7[%swap3A_233] {strides = array<i32>} : memref<16384xf32, #tpu.memory_space<vmem>>, vector<16xf32>,
      tpu.vector_store %arg7[%swap3A_233], %broadcast_in_dim3A_0 {strides = array<i32>} : memref<16384xf32, #tpu.memory_space<vmem>>, vector<16xf32>,
      %lt3A_235 = vector.broadcast %arg1 : i32 to vector<16xi32>
      %lt3A_236 = arith.cmpi slt, %get3A_230, %lt3A_235 : vector<16xi32>
      %broadcast_in_dim3A_237 = vector.broadcast %scan3A : f32 to vector<16xf32>
      %broadcast_in_dim3A_238 = vector.broadcast %scan3A_3 : f32 to vector<16xf32>
      %select_n3A_239 = arith.select %lt3A_236, %broadcast_in_dim3A_237, %broadcast_in_dim3A_238 : vector<16xi1>, vector<16xf32>
      %add3A_240 = arith.addf %add3A_218, %select_n3A_239 : vector<16xf32>
      %le3A_241 = vector.broadcast %arg1 : i32 to vector<16xi32>
      %le3A_242 = arith.cmpi sle, %get3A_230, %le3A_241 : vector<16xi32>
      %broadcast_in_dim3A_243 = vector.broadcast %scan3A : f32 to vector<16xf32>
      %broadcast_in_dim3A_244 = vector.broadcast %scan3A_3 : f32 to vector<16xf32>
      %select_n3A_245 = arith.select %le3A_242, %broadcast_in_dim3A_243, %broadcast_in_dim3A_244 : vector<16xi1>, vector<16xf32>
      %add3A_246 = arith.addf %add3A_224, %select_n3A_245 : vector<16xf32>
      scf.yield %add3A_240, %add3A_246 : vector<16xf32>, vector<16xf32>
    }
    %scan3A_9 = arith.constant 1024 : i32
    %reduce_sum3A = arith.constant true
    %reduce_sum3A_10 = vector.broadcast %reduce_sum3A : i1 to vector<16xi1>
    %reduce_sum3A_11 = tpu.scan <sum>, %scan3A_8#0 masked %reduce_sum3A_10 : vector<16xf32>, vector<16xi1> -> vector<16xf32>
    %reduce_sum3A_12 = vector.extract %reduce_sum3A_11[15] : f32 from vector<16xf32>
    %convert_element_type3A = arith.fptosi %reduce_sum3A_12 : f32 to i32
    %reduce_sum3A_13 = arith.constant true
    %reduce_sum3A_14 = vector.broadcast %reduce_sum3A_13 : i1 to vector<16xi1>
    %reduce_sum3A_15 = tpu.scan <sum>, %scan3A_8#1 masked %reduce_sum3A_14 : vector<16xf32>, vector<16xi1> -> vector<16xf32>
    %reduce_sum3A_16 = vector.extract %reduce_sum3A_15[15] : f32 from vector<16xf32>
    %convert_element_type3A_17 = arith.fptosi %reduce_sum3A_16 : f32 to i32
    %add3A = arith.addi %convert_element_type3A, %convert_element_type3A_17 : i32
    %jit3A = arith.constant 2 : i32
    %div3A = arith.divsi %add3A, %jit3A : i32
    %sign3A = arith.constant 0 : i32
    %sign3A_18 = arith.cmpi sgt, %add3A, %sign3A : i32
    %sign3A_19 = arith.extui %sign3A_18 : i1 to i32
    %sign3A_20 = arith.constant 0 : i32
    %sign3A_21 = arith.cmpi slt, %add3A, %sign3A_20 : i32
    %sign3A_22 = arith.extui %sign3A_21 : i1 to i32
    %sign3A_23 = arith.subi %sign3A_19, %sign3A_22 : i32
    %sign3A_24 = arith.constant 0 : i32
    %sign3A_25 = arith.cmpi sgt, %jit3A, %sign3A_24 : i32
    %sign3A_26 = arith.extui %sign3A_25 : i1 to i32
    %sign3A_27 = arith.constant 0 : i32
    %sign3A_28 = arith.cmpi slt, %jit3A, %sign3A_27 : i32
    %sign3A_29 = arith.extui %sign3A_28 : i1 to i32
    %sign3A_30 = arith.subi %sign3A_26, %sign3A_29 : i32
    %ne3A = arith.cmpi ne, %sign3A_23, %sign3A_30 : i32
    %rem3A = arith.remsi %add3A, %jit3A : i32
    %ne3A_31 = arith.constant 0 : i32
    %ne3A_32 = arith.cmpi ne, %rem3A, %ne3A_31 : i32
    %and3A = arith.andi %ne3A, %ne3A_32 : i1
    %sub3A = arith.constant 1 : i32
    %sub3A_33 = arith.subi %div3A, %sub3A : i32
    %select_n3A = arith.select %and3A, %sub3A_33, %div3A : i32
    %eq3A = arith.constant 0 : i32
    %eq3A_34 = arith.cmpi eq, %arg0, %eq3A : i32
    %select_n3A_35 = arith.select %eq3A_34, %convert_element_type3A, %select_n3A : i32
    %eq3A_36 = arith.constant 0 : i32
    %eq3A_37 = arith.cmpi eq, %arg0, %eq3A_36 : i32
    %select_n3A_38 = arith.select %eq3A_37, %select_n3A, %convert_element_type3A_17 : i32
    %sub3A_39 = arith.subi %select_n3A_38, %select_n3A_35 : i32
    %add3A_40 = arith.constant 31 : i32
    %add3A_41 = arith.addi %sub3A_39, %add3A_40 : i32
    %jit3A_42 = arith.constant 32 : i32
    %div3A_43 = arith.divsi %add3A_41, %jit3A_42 : i32
    %sign3A_44 = arith.constant 0 : i32
    %sign3A_45 = arith.cmpi sgt, %add3A_41, %sign3A_44 : i32
    %sign3A_46 = arith.extui %sign3A_45 : i1 to i32
    %sign3A_47 = arith.constant 0 : i32
    %sign3A_48 = arith.cmpi slt, %add3A_41, %sign3A_47 : i32
    %sign3A_49 = arith.extui %sign3A_48 : i1 to i32
    %sign3A_50 = arith.subi %sign3A_46, %sign3A_49 : i32
    %sign3A_51 = arith.constant 0 : i32
    %sign3A_52 = arith.cmpi sgt, %jit3A_42, %sign3A_51 : i32
    %sign3A_53 = arith.extui %sign3A_52 : i1 to i32
    %sign3A_54 = arith.constant 0 : i32
    %sign3A_55 = arith.cmpi slt, %jit3A_42, %sign3A_54 : i32
    %sign3A_56 = arith.extui %sign3A_55 : i1 to i32
    %sign3A_57 = arith.subi %sign3A_53, %sign3A_56 : i32
    %ne3A_58 = arith.cmpi ne, %sign3A_50, %sign3A_57 : i32
    %rem3A_59 = arith.remsi %add3A_41, %jit3A_42 : i32
    %ne3A_60 = arith.constant 0 : i32
    %ne3A_61 = arith.cmpi ne, %rem3A_59, %ne3A_60 : i32
    %and3A_62 = arith.andi %ne3A_58, %ne3A_61 : i1
    %sub3A_63 = arith.constant 1 : i32
    %sub3A_64 = arith.subi %div3A_43, %sub3A_63 : i32
    %select_n3A_65 = arith.select %and3A_62, %sub3A_64, %div3A_43 : i32
    %while3A = arith.constant 0 : i32
    %while3A_66 = arith.constant 0 : i32
    %while3A_67 = arith.subi %select_n3A_65, %while3A_66 : i32
    %while3A_68 = arith.addi %while3A_66, %while3A_67 : i32
    %while3A_69 = arith.constant 1 : i32
    %while3A_70 = arith.divsi %while3A_67, %while3A_69 : i32
    %while3A_71 = arith.muli %while3A_70, %while3A_69 : i32
    %while3A_72 = arith.addi %while3A_66, %while3A_71 : i32
    %while3A_73 = arith.constant 1 : i32
    scf.for %while3A_75 = %while3A_66 to %while3A_72 step %while3A_73  : i32 {
      %mul3A = arith.constant 32 : i32
      %mul3A_76 = arith.muli %while3A_75, %mul3A : i32
      %add3A_77 = arith.addi %select_n3A_35, %mul3A_76 : i32
      %add3A_78 = vector.broadcast %add3A_77 : i32 to vector<16xi32>
      %add3A_79 = arith.addi %iota3A, %add3A_78 : vector<16xi32>
      %lt3A = vector.broadcast %select_n3A_38 : i32 to vector<16xi32>
      %lt3A_80 = arith.cmpi slt, %add3A_79, %lt3A : vector<16xi32>
      %add3A_81 = arith.constant 16 : i32
      %add3A_82 = arith.addi %add3A_77, %add3A_81 : i32
      %add3A_83 = vector.broadcast %add3A_82 : i32 to vector<16xi32>
      %add3A_84 = arith.addi %iota3A, %add3A_83 : vector<16xi32>
      %lt3A_85 = vector.broadcast %select_n3A_38 : i32 to vector<16xi32>
      %lt3A_86 = arith.cmpi slt, %add3A_84, %lt3A_85 : vector<16xi32>
      %get3A = arith.index_cast %add3A_77 : i32 to index
      %get3A_87 = tpu.vector_load %arg6[%get3A] {strides = array<i32>} : memref<16416xi32, #tpu.memory_space<vmem>>, vector<16xi32>,
      %add3A_88 = arith.constant 16 : i32
      %add3A_89 = arith.addi %add3A_77, %add3A_88 : i32
      %get3A_90 = arith.index_cast %add3A_89 : i32 to index
      %get3A_91 = tpu.vector_load %arg6[%get3A_90] {strides = array<i32>} : memref<16416xi32, #tpu.memory_space<vmem>>, vector<16xi32>,
      tpu.vector_store_idx %arg7[%get3A_87], %broadcast_in_dim3A_2 masked %lt3A_80 {add = true} : memref<16384xf32, #tpu.memory_space<vmem>>[vector<16xi32>], vector<16xf32>, vector<16xi1>
      tpu.vector_store_idx %arg7[%get3A_91], %broadcast_in_dim3A_2 masked %lt3A_86 {add = true} : memref<16384xf32, #tpu.memory_space<vmem>>[vector<16xi32>], vector<16xf32>, vector<16xi1>
    }
    %while3A_74 = arith.constant 1 : i32
    scf.for %while3A_75 = %while3A_72 to %while3A_68 step %while3A_74  : i32 {
      %mul3A = arith.constant 32 : i32
      %mul3A_76 = arith.muli %while3A_75, %mul3A : i32
      %add3A_77 = arith.addi %select_n3A_35, %mul3A_76 : i32
      %add3A_78 = vector.broadcast %add3A_77 : i32 to vector<16xi32>
      %add3A_79 = arith.addi %iota3A, %add3A_78 : vector<16xi32>
      %lt3A = vector.broadcast %select_n3A_38 : i32 to vector<16xi32>
      %lt3A_80 = arith.cmpi slt, %add3A_79, %lt3A : vector<16xi32>
      %add3A_81 = arith.constant 16 : i32
      %add3A_82 = arith.addi %add3A_77, %add3A_81 : i32
      %add3A_83 = vector.broadcast %add3A_82 : i32 to vector<16xi32>
      %add3A_84 = arith.addi %iota3A, %add3A_83 : vector<16xi32>
      %lt3A_85 = vector.broadcast %select_n3A_38 : i32 to vector<16xi32>
      %lt3A_86 = arith.cmpi slt, %add3A_84, %lt3A_85 : vector<16xi32>
      %get3A = arith.index_cast %add3A_77 : i32 to index
      %get3A_87 = tpu.vector_load %arg6[%get3A] {strides = array<i32>} : memref<16416xi32, #tpu.memory_space<vmem>>, vector<16xi32>,
      %add3A_88 = arith.constant 16 : i32
      %add3A_89 = arith.addi %add3A_77, %add3A_88 : i32
      %get3A_90 = arith.index_cast %add3A_89 : i32 to index
      %get3A_91 = tpu.vector_load %arg6[%get3A_90] {strides = array<i32>} : memref<16416xi32, #tpu.memory_space<vmem>>, vector<16xi32>,
      tpu.vector_store_idx %arg7[%get3A_87], %broadcast_in_dim3A_2 masked %lt3A_80 {add = true} : memref<16384xf32, #tpu.memory_space<vmem>>[vector<16xi32>], vector<16xf32>, vector<16xi1>
      tpu.vector_store_idx %arg7[%get3A_91], %broadcast_in_dim3A_2 masked %lt3A_86 {add = true} : memref<16384xf32, #tpu.memory_space<vmem>>[vector<16xi32>], vector<16xf32>, vector<16xi1>
    }
    "tpu.region"() ({
      %run_scoped3A = tpu.sem_alloc : memref<!tpu.dma_semaphore, #tpu.memory_space<semaphore_mem>>
      %dma_start3A = arith.constant 0 : i32
      %dma_start3A_75 = tpu.memref_slice %arg4[%arg0, %arg1, %dma_start3A] : memref<2x16x16384xf32, #tpu.memory_space<hbm>> -> memref<1x1x16384xf32, #tpu.memory_space<hbm>>
      %dma_start3A_76 = tpu.memref_squeeze %dma_start3A_75 : memref<1x1x16384xf32, #tpu.memory_space<hbm>> -> memref<16384xf32, #tpu.memory_space<hbm>>
      %dma_start3A_77 = arith.constant 0 : i32
      %dma_start3A_78 = tpu.memref_slice %arg4[%arg0, %arg1, %dma_start3A_77] : memref<2x16x16384xf32, #tpu.memory_space<hbm>> -> memref<1x1x16384xf32, #tpu.memory_space<hbm>>
      %dma_start3A_79 = tpu.memref_squeeze %dma_start3A_78 : memref<1x1x16384xf32, #tpu.memory_space<hbm>> -> memref<16384xf32, #tpu.memory_space<hbm>>
      tpu.enqueue_dma source(%arg7 : memref<16384xf32, #tpu.memory_space<vmem>>) target(%dma_start3A_79 : memref<16384xf32, #tpu.memory_space<hbm>>) target_semaphore(%run_scoped3A : memref<!tpu.dma_semaphore, #tpu.memory_space<semaphore_mem>>)
      %dma_wait3A = arith.constant 0 : i32
      %dma_wait3A_80 = tpu.memref_slice %arg4[%arg0, %arg1, %dma_wait3A] : memref<2x16x16384xf32, #tpu.memory_space<hbm>> -> memref<1x1x16384xf32, #tpu.memory_space<hbm>>
      %dma_wait3A_81 = tpu.memref_squeeze %dma_wait3A_80 : memref<1x1x16384xf32, #tpu.memory_space<hbm>> -> memref<16384xf32, #tpu.memory_space<hbm>>
      %dma_wait3A_82 = arith.constant 0 : i32
      %dma_wait3A_83 = tpu.memref_slice %arg4[%arg0, %arg1, %dma_wait3A_82] : memref<2x16x16384xf32, #tpu.memory_space<hbm>> -> memref<1x1x16384xf32, #tpu.memory_space<hbm>>
      %dma_wait3A_84 = tpu.memref_squeeze %dma_wait3A_83 : memref<1x1x16384xf32, #tpu.memory_space<hbm>> -> memref<16384xf32, #tpu.memory_space<hbm>>
      tpu.wait_dma2 semaphore(%run_scoped3A : memref<!tpu.dma_semaphore, #tpu.memory_space<semaphore_mem>>) src(%arg7 : memref<16384xf32, #tpu.memory_space<vmem>>) dst(%dma_wait3A_84 : memref<16384xf32, #tpu.memory_space<hbm>>)
      tpu.yield
    }) : () -> ()
    return
  }
}

module attributes {stable_mosaic.version = 14 : i64} {
  func.func @_fused_body(%arg0: i32, %arg1: memref<2048x1024xf32, #tpu.memory_space<vmem>>, %arg2: memref<1x1024xf32, #tpu.memory_space<vmem>>, %arg3: memref<2x16x2048xf32, #tpu.memory_space<vmem>>, %arg4: memref<16x1024xf32, #tpu.memory_space<vmem>>, %arg5: memref<16x1024xf32, #tpu.memory_space<vmem>>, %arg6: memref<16x1xf32, #tpu.memory_space<vmem>>, %arg7: memref<16x1xf32, #tpu.memory_space<vmem>>) attributes {dimension_semantics = [#tpu.dimension_semantics<arbitrary>], iteration_bounds = array<i64: 8>, scalar_prefetch = 0 : i64, scratch_operands = 3 : i64, tpu.core_type = #tpu.core_type<tc>, window_params = [{transform_indices = @transform_0, window_bounds = array<i64: 2048, 1024>}, {pipeline_mode = #tpu.pipeline_mode<synchronous>, transform_indices = @transform_1, window_bounds = array<i64: 1, 1024>}, {transform_indices = @transform_2, window_bounds = array<i64: 2, 16, 2048>}, {pipeline_mode = #tpu.pipeline_mode<synchronous>, transform_indices = @transform_3, window_bounds = array<i64: 16, 1024>}]} {
    %get3A = arith.constant 0 : index
    %get3A_0 = arith.constant 0 : index
    %get3A_1 = arith.constant 0 : index
    %get3A_2 = vector.load %arg3[%get3A, %get3A_0, %get3A_1] : memref<2x16x2048xf32, #tpu.memory_space<vmem>>, vector<1x16x2048xf32>
    %get3A_3 = vector.shape_cast %get3A_2 : vector<1x16x2048xf32> to vector<16x2048xf32>
    %get3A_4 = arith.constant 1 : index
    %get3A_5 = arith.constant 0 : index
    %get3A_6 = arith.constant 0 : index
    %get3A_7 = vector.load %arg3[%get3A_4, %get3A_5, %get3A_6] : memref<2x16x2048xf32, #tpu.memory_space<vmem>>, vector<1x16x2048xf32>
    %get3A_8 = vector.shape_cast %get3A_7 : vector<1x16x2048xf32> to vector<16x2048xf32>
    %add3A = arith.addf %get3A_3, %get3A_8 : vector<16x2048xf32>
    %eq3A = arith.constant 0 : i32
    %eq3A_9 = arith.cmpi eq, %arg0, %eq3A : i32
    %convert_element_type3A = arith.extui %eq3A_9 : i1 to i32
    %cond3A = arith.constant 0 : i32
    %cond3A_10 = arith.cmpi ne, %convert_element_type3A, %cond3A : i32
    scf.if %cond3A_10 {
      %broadcast_in_dim3A_72 = arith.constant -3.000000e+38 : f32
      %broadcast_in_dim3A_73 = vector.broadcast %broadcast_in_dim3A_72 : f32 to vector<16x1xf32>
      %swap3A_74 = arith.constant 0 : index
      %swap3A_75 = arith.constant 0 : index
      %swap3A_76 = vector.load %arg6[%swap3A_74, %swap3A_75] : memref<16x1xf32, #tpu.memory_space<vmem>>, vector<16x1xf32>
      tpu.vector_store %arg6[%swap3A_74, %swap3A_75], %broadcast_in_dim3A_73 {strides = array<i32>} : memref<16x1xf32, #tpu.memory_space<vmem>>, vector<16x1xf32>,
      %broadcast_in_dim3A_77 = arith.constant 0.000000e+00 : f32
      %broadcast_in_dim3A_78 = vector.broadcast %broadcast_in_dim3A_77 : f32 to vector<16x1xf32>
      %swap3A_79 = arith.constant 0 : index
      %swap3A_80 = arith.constant 0 : index
      %swap3A_81 = vector.load %arg7[%swap3A_79, %swap3A_80] : memref<16x1xf32, #tpu.memory_space<vmem>>, vector<16x1xf32>
      tpu.vector_store %arg7[%swap3A_79, %swap3A_80], %broadcast_in_dim3A_78 {strides = array<i32>} : memref<16x1xf32, #tpu.memory_space<vmem>>, vector<16x1xf32>,
      %broadcast_in_dim3A_82 = arith.constant 0.000000e+00 : f32
      %broadcast_in_dim3A_83 = vector.broadcast %broadcast_in_dim3A_82 : f32 to vector<16x1024xf32>
      %swap3A_84 = arith.constant 0 : index
      %swap3A_85 = arith.constant 0 : index
      %swap3A_86 = vector.load %arg5[%swap3A_84, %swap3A_85] : memref<16x1024xf32, #tpu.memory_space<vmem>>, vector<16x1024xf32>
      tpu.vector_store %arg5[%swap3A_84, %swap3A_85], %broadcast_in_dim3A_83 {strides = array<i32>} : memref<16x1024xf32, #tpu.memory_space<vmem>>, vector<16x1024xf32>,
    } else {
    }
    %get3A_11 = arith.constant 0 : index
    %get3A_12 = arith.constant 0 : index
    %get3A_13 = vector.load %arg2[%get3A_11, %get3A_12] : memref<1x1024xf32, #tpu.memory_space<vmem>>, vector<1x1024xf32>
    %get3A_14 = arith.constant 0 : index
    %get3A_15 = arith.constant 0 : index
    %get3A_16 = vector.load %arg1[%get3A_14, %get3A_15] : memref<2048x1024xf32, #tpu.memory_space<vmem>>, vector<2048x1024xf32>
    %dot_general3A = arith.constant dense<0.000000e+00> : vector<1x2048xf32>
    %dot_general3A_17 = tpu.matmul %get3A_13, %get3A_16, %dot_general3A {dimension_numbers = #tpu.dot_dimension_numbers<[1], [1], [0], [0], [0, 0, 1, 0], [], []>, transpose_lhs_hint = false} : vector<1x1024xf32>, vector<2048x1024xf32>, vector<1x2048xf32> -> vector<1x2048xf32>
    %broadcast_in_dim3A = vector.shape_cast %dot_general3A_17 : vector<1x2048xf32> to vector<1x2048xf32>
    %broadcast_in_dim3A_18 = vector.broadcast %broadcast_in_dim3A : vector<1x2048xf32> to vector<16x2048xf32>
    %gt3A = arith.constant 0.000000e+00 : f32
    %gt3A_19 = vector.broadcast %gt3A : f32 to vector<16x2048xf32>
    %gt3A_20 = arith.cmpf ogt, %add3A, %gt3A_19 : vector<16x2048xf32>
    %jit3A = arith.constant -3.000000e+38 : f32
    %broadcast_in_dim3A_21 = vector.broadcast %jit3A : f32 to vector<16x2048xf32>
    %select_n3A = arith.select %gt3A_20, %broadcast_in_dim3A_18, %broadcast_in_dim3A_21 : vector<16x2048xi1>, vector<16x2048xf32>
    %reduce_max3A = arith.constant dense<0xFF800000> : vector<16xf32>
    %reduce_max3A_22 = vector.multi_reduction <maximumf>, %select_n3A, %reduce_max3A [1] : vector<16x2048xf32> to vector<16xf32>
    %broadcast_in_dim3A_23 = vector.shape_cast %reduce_max3A_22 : vector<16xf32> to vector<16x1xf32>
    %get3A_24 = arith.constant 0 : index
    %get3A_25 = arith.constant 0 : index
    %get3A_26 = vector.load %arg6[%get3A_24, %get3A_25] : memref<16x1xf32, #tpu.memory_space<vmem>>, vector<16x1xf32>
    %max3A = arith.maximumf %get3A_26, %broadcast_in_dim3A_23 : vector<16x1xf32>
    %get3A_27 = arith.constant 0 : index
    %get3A_28 = arith.constant 0 : index
    %get3A_29 = vector.load %arg6[%get3A_27, %get3A_28] : memref<16x1xf32, #tpu.memory_space<vmem>>, vector<16x1xf32>
    %sub3A = arith.subf %get3A_29, %max3A : vector<16x1xf32>
    %exp3A = math.exp %sub3A : vector<16x1xf32>
    %gt3A_30 = arith.constant 0.000000e+00 : f32
    %gt3A_31 = vector.broadcast %gt3A_30 : f32 to vector<16x2048xf32>
    %gt3A_32 = arith.cmpf ogt, %add3A, %gt3A_31 : vector<16x2048xf32>
    %sub3A_33 = vector.broadcast %max3A : vector<16x1xf32> to vector<16x2048xf32>
    %sub3A_34 = arith.subf %broadcast_in_dim3A_18, %sub3A_33 : vector<16x2048xf32>
    %exp3A_35 = math.exp %sub3A_34 : vector<16x2048xf32>
    %mul3A = arith.mulf %add3A, %exp3A_35 : vector<16x2048xf32>
    %jit3A_36 = arith.constant 0.000000e+00 : f32
    %broadcast_in_dim3A_37 = vector.broadcast %jit3A_36 : f32 to vector<16x2048xf32>
    %select_n3A_38 = arith.select %gt3A_32, %mul3A, %broadcast_in_dim3A_37 : vector<16x2048xi1>, vector<16x2048xf32>
    %get3A_39 = arith.constant 0 : index
    %get3A_40 = arith.constant 0 : index
    %get3A_41 = vector.load %arg7[%get3A_39, %get3A_40] : memref<16x1xf32, #tpu.memory_space<vmem>>, vector<16x1xf32>
    %mul3A_42 = arith.mulf %get3A_41, %exp3A : vector<16x1xf32>
    %reduce_sum3A = arith.constant dense<0.000000e+00> : vector<16xf32>
    %reduce_sum3A_43 = vector.multi_reduction <add>, %select_n3A_38, %reduce_sum3A [1] : vector<16x2048xf32> to vector<16xf32>
    %broadcast_in_dim3A_44 = vector.shape_cast %reduce_sum3A_43 : vector<16xf32> to vector<16x1xf32>
    %add3A_45 = arith.addf %mul3A_42, %broadcast_in_dim3A_44 : vector<16x1xf32>
    %swap3A = arith.constant 0 : index
    %swap3A_46 = arith.constant 0 : index
    %swap3A_47 = vector.load %arg7[%swap3A, %swap3A_46] : memref<16x1xf32, #tpu.memory_space<vmem>>, vector<16x1xf32>
    tpu.vector_store %arg7[%swap3A, %swap3A_46], %add3A_45 {strides = array<i32>} : memref<16x1xf32, #tpu.memory_space<vmem>>, vector<16x1xf32>,
    %convert_element_type3A_48 = arith.truncf %select_n3A_38 : vector<16x2048xf32> to vector<16x2048xbf16>
    %get3A_49 = arith.constant 0 : index
    %get3A_50 = arith.constant 0 : index
    %get3A_51 = vector.load %arg1[%get3A_49, %get3A_50] : memref<2048x1024xf32, #tpu.memory_space<vmem>>, vector<2048x1024xf32>
    %convert_element_type3A_52 = arith.truncf %get3A_51 : vector<2048x1024xf32> to vector<2048x1024xbf16>
    %dot_general3A_53 = arith.constant dense<0.000000e+00> : vector<16x1024xf32>
    %dot_general3A_54 = tpu.matmul %convert_element_type3A_48, %convert_element_type3A_52, %dot_general3A_53 {dimension_numbers = #tpu.dot_dimension_numbers<[1], [0], [0], [1], [0, 0, 1, 1], [], []>, transpose_lhs_hint = false} : vector<16x2048xbf16>, vector<2048x1024xbf16>, vector<16x1024xf32> -> vector<16x1024xf32>
    %get3A_55 = arith.constant 0 : index
    %get3A_56 = arith.constant 0 : index
    %get3A_57 = vector.load %arg5[%get3A_55, %get3A_56] : memref<16x1024xf32, #tpu.memory_space<vmem>>, vector<16x1024xf32>
    %mul3A_58 = vector.broadcast %exp3A : vector<16x1xf32> to vector<16x1024xf32>
    %mul3A_59 = arith.mulf %get3A_57, %mul3A_58 : vector<16x1024xf32>
    %add3A_60 = arith.addf %mul3A_59, %dot_general3A_54 : vector<16x1024xf32>
    %swap3A_61 = arith.constant 0 : index
    %swap3A_62 = arith.constant 0 : index
    %swap3A_63 = vector.load %arg5[%swap3A_61, %swap3A_62] : memref<16x1024xf32, #tpu.memory_space<vmem>>, vector<16x1024xf32>
    tpu.vector_store %arg5[%swap3A_61, %swap3A_62], %add3A_60 {strides = array<i32>} : memref<16x1024xf32, #tpu.memory_space<vmem>>, vector<16x1024xf32>,
    %swap3A_64 = arith.constant 0 : index
    %swap3A_65 = arith.constant 0 : index
    %swap3A_66 = vector.load %arg6[%swap3A_64, %swap3A_65] : memref<16x1xf32, #tpu.memory_space<vmem>>, vector<16x1xf32>
    tpu.vector_store %arg6[%swap3A_64, %swap3A_65], %max3A {strides = array<i32>} : memref<16x1xf32, #tpu.memory_space<vmem>>, vector<16x1xf32>,
    %eq3A_67 = arith.constant 7 : i32
    %eq3A_68 = arith.cmpi eq, %arg0, %eq3A_67 : i32
    %convert_element_type3A_69 = arith.extui %eq3A_68 : i1 to i32
    %cond3A_70 = arith.constant 0 : i32
    %cond3A_71 = arith.cmpi ne, %convert_element_type3A_69, %cond3A_70 : i32
    scf.if %cond3A_71 {
      %get3A_72 = arith.constant 0 : index
      %get3A_73 = arith.constant 0 : index
      %get3A_74 = vector.load %arg7[%get3A_72, %get3A_73] : memref<16x1xf32, #tpu.memory_space<vmem>>, vector<16x1xf32>
      %eq3A_75 = arith.constant 0.000000e+00 : f32
      %eq3A_76 = vector.broadcast %eq3A_75 : f32 to vector<16x1xf32>
      %eq3A_77 = arith.cmpf oeq, %get3A_74, %eq3A_76 : vector<16x1xf32>
      %get3A_78 = arith.constant 0 : index
      %get3A_79 = arith.constant 0 : index
      %get3A_80 = vector.load %arg7[%get3A_78, %get3A_79] : memref<16x1xf32, #tpu.memory_space<vmem>>, vector<16x1xf32>
      %jit3A_81 = arith.constant 1.000000e+00 : f32
      %broadcast_in_dim3A_82 = vector.broadcast %jit3A_81 : f32 to vector<16x1xf32>
      %select_n3A_83 = arith.select %eq3A_77, %broadcast_in_dim3A_82, %get3A_80 : vector<16x1xi1>, vector<16x1xf32>
      %get3A_84 = arith.constant 0 : index
      %get3A_85 = arith.constant 0 : index
      %get3A_86 = vector.load %arg5[%get3A_84, %get3A_85] : memref<16x1024xf32, #tpu.memory_space<vmem>>, vector<16x1024xf32>
      %div3A = vector.broadcast %select_n3A_83 : vector<16x1xf32> to vector<16x1024xf32>
      %div3A_87 = arith.divf %get3A_86, %div3A : vector<16x1024xf32>
      %swap3A_88 = arith.constant 0 : index
      %swap3A_89 = arith.constant 0 : index
      %swap3A_90 = vector.load %arg4[%swap3A_88, %swap3A_89] : memref<16x1024xf32, #tpu.memory_space<vmem>>, vector<16x1024xf32>
      tpu.vector_store %arg4[%swap3A_88, %swap3A_89], %div3A_87 {strides = array<i32>} : memref<16x1024xf32, #tpu.memory_space<vmem>>, vector<16x1024xf32>,
    } else {
    }
    return
  }
  func.func @transform_0(%arg0: i32) -> (i32, i32) {
    %c0_i32 = arith.constant 0 : i32
    %c0_i32_0 = arith.constant 0 : i32
    return %arg0, %c0_i32 : i32, i32
  }
  func.func @transform_1(%arg0: i32) -> (i32, i32) {
    %c0_i32 = arith.constant 0 : i32
    %c0_i32_0 = arith.constant 0 : i32
    %c0_i32_1 = arith.constant 0 : i32
    return %c0_i32, %c0_i32_0 : i32, i32
  }
  func.func @transform_2(%arg0: i32) -> (i32, i32, i32) {
    %c0_i32 = arith.constant 0 : i32
    %c0_i32_0 = arith.constant 0 : i32
    %c0_i32_1 = arith.constant 0 : i32
    return %c0_i32, %c0_i32_0, %arg0 : i32, i32, i32
  }
  func.func @transform_3(%arg0: i32) -> (i32, i32) {
    %c0_i32 = arith.constant 0 : i32
    %c0_i32_0 = arith.constant 0 : i32
    %c0_i32_1 = arith.constant 0 : i32
    return %c0_i32, %c0_i32_0 : i32, i32
  }
}

</mosaic_0001>

<sc_bundles>
// kernel: kernel.4.cloned.1.call-start
scs
__scs_entry_jumppad:
0x0: {  	(pc) =	sbr.rel $0x88, $3  }
0x1: {  	(tag) =	ssettag $0x0;
	lr =	simm.s32 $0x1  }
0x2: {  	[smem:$0x3F9D] =	sst lr;
	_ =	strace $0xD0000000  }
0x3: {  	_ = 	snop  }
0x4: {  	_ = 	snop  }
0x5: {  	_ = 	snop  }
0x6: {  	_ = 	snop  }
0x7: {  	_ = 	snop  }
__scs_overlays_trampoline_lowered:
0x8: {  	[smem:$0x3FAC] =	sst s0  }
0x9: {  	[smem:$0x3FAD] =	sst s1  }
0xa: {  	[smem:$0x3FAE] =	sst s2  }
0xb: {  	[smem:$0x3FAF] =	sst s3  }
0xc: {  	[smem:$0x3FB0] =	sst s4  }
0xd: {  	[smem:$0x3FB1] =	sst s5  }
0xe: {  	[smem:$0x3FB2] =	sst s6  }
0xf: {  	[smem:$0x3FB3] =	sst s7  }
0x10: {  	[smem:$0x3FB4] =	sst s8  }
0x11: {  	[smem:$0x3FB5] =	sst s9;
	s0 =	simm.s32 @!p0 $0x0  }
0x12: {  	s1 =	sld [smem:$0x3F9B];
	s0 =	simm.s32 @p0 $0x1  }
0x13: {  	[smem:$0x3FB6] =	sst s0;
	s0 =	simm.s32 @!p1 $0x0  }
0x14: {  	s2 =	sld [smem:$0x3F9A];
	s0 =	simm.s32 @p1 $0x1  }
0x15: {  	[smem:$0x3FB7] =	sst s0;
	s0 =	simm.s32 @!p2 $0x0  }
0x16: {  	s3 =	sld [smem:$0x3FDB];
	s0 =	simm.s32 @p2 $0x1  }
0x17: {  	s4 =	simm.s32 $0x1BF5;
	[smem:$0x3FB9] =	sst s0  }
0x18: {  	s0 =	sld [smem:$0x3F9C];
	_ =	swait.ge [sflag:s4], $0x0  }
0x19: {  	s7 =	sld [smem:$0x3F9D]  }
0x1a: {  	s8 =	sadd.s32 $0xFFFFE003, lr  }
0x1b: {  	s9 =	sadd.s32 $0xFFFFFEF7, lr;
	s5 =	simm.s32 $0xFFFFFFFF;
	p2 =	slt.u32 s8, $0xFFFFF086  }
0x1c: {  	p1 =	slt.u32 s9, $0xF7A;
	s5 =	simm.s32 @!p2 $0x0  }
0x1d: {  	s5 =	simm.s32 @p1 $0x1;
	p0 =	seq.s32 s7, s2  }
0x1e: {  	s7 =	smul.u32 @!p0 $0xF7A, s2;
	p2 =	seq.s32 @!p0 s5, $0x0  }
0x1f: {  	s9 =	smul.u32 $0xF7A, s1;
	s8 =	simm.s32 @!p0 $0x1BF5;
	p2 =	por !p2, p0  }
0x20: {  	[sflag:s8] =	ssyncset.s32 @!p0 $0xFFFFF086;
	s6 =	sadd.s32 @!p0 s3, s7;
	s7 =	simm.s32 @!p0 $0x108  }
0x21: {  	s3 =	sadd.s32 s3, s9;
	s6 =	sadd.s32 @!p0 $0x88, s6;
	s7 =	simm.s32 @p2 $0x1082  }
0x22: {  	[simem:s7], [sflag:s8] =	dma.local @!p0 [hbm:s6], $0xF7A  }
0x23: {  	s9 =	sor.u32 $0xD0000000, s2;
	s6 =	simm.s32 $0x108;
	_ =	swait.ge @!p0 [sflag:s8], $0x0  }
0x24: {  	s3 =	sadd.s32 $0x88, s3;
	s6 =	simm.s32 @!p1 $0x1082;
	[sflag:s4] =	ssyncset.s32 $0xFFFFF086  }
0x25: {  	[simem:s6], [sflag:s4] =	dma.local [hbm:s3], $0xF7A  }
0x26: {  	[smem:$0x3F9D] =	sst s1;
	(tag) =	ssettag s2;
	_ =	strace s9  }
0x27: {  	s1 =	sld [smem:$0x3FAD]  }
0x28: {  	s2 =	sld [smem:$0x3FAE]  }
0x29: {  	s4 =	sld [smem:$0x3FB0]  }
0x2a: {  	p0 =	seq.s32 s5, $0x0;
	s5 =	sld [smem:$0x3FB1]  }
0x2b: {  	s6 =	sld [smem:$0x3FB2]  }
0x2c: {  	s7 =	sld [smem:$0x3FB3]  }
0x2d: {  	s3 =	simm.s32 $0x108;
	s8 =	sld [smem:$0x3FB4]  }
0x2e: {  	s3 =	simm.s32 @!p0 $0x1082;
	s9 =	sld [smem:$0x3FB5]  }
0x2f: {  	lr =	sadd.s32 s0, s3;
	s0 =	sld [smem:$0x3FAC]  }
0x30: {  	s3 =	sld [smem:$0x3FAF]  }
0x31: {  	[smem:$0x3FB8] =	sst s10  }
0x32: {  	s10 =	sld [smem:$0x3FB6];
	_ =	sdelay $0x3  }
0x33: {  	p0 =	seq.s32 s10, $0x1;
	s10 =	sld [smem:$0x3FB8];
	_ =	sdelay $0x3  }
0x34: {  	[smem:$0x3FB8] =	sst s10  }
0x35: {  	s10 =	sld [smem:$0x3FB7];
	_ =	sdelay $0x3  }
0x36: {  	p1 =	seq.s32 s10, $0x1;
	s10 =	sld [smem:$0x3FB8];
	_ =	sdelay $0x3  }
0x37: {  	[smem:$0x3FB8] =	sst s10  }
0x38: {  	s10 =	sld [smem:$0x3FB9]  }
0x39: {  	_ = 	snop;
	(pc) =	sbr.ind lr, $3  }
0x3a: {  	_ = 	snop  }
0x3b: {  	_ = 	snop  }
0x3c: {  	p2 =	seq.s32 s10, $0x1;
	s10 =	sld [smem:$0x3FB8]  }
0x3d: {  	_ =	shalt  }
0x3e: {  	_ =	shalt  }
0x3f: {  	_ =	shalt  }
0x40: {  	_ =	shalt  }
0x41: {  	_ =	shalt  }
0x42: {  	_ =	shalt  }
0x43: {  	_ =	shalt  }
0x44: {  	_ =	shalt  }
0x45: {  	_ =	shalt  }
0x46: {  	_ =	shalt  }
0x47: {  	_ =	shalt  }
0x48: {  	_ =	shalt  }
0x49: {  	_ =	shalt  }
0x4a: {  	_ =	shalt  }
0x4b: {  	_ =	shalt  }
0x4c: {  	_ =	shalt  }
0x4d: {  	_ =	shalt  }
0x4e: {  	_ =	shalt  }
0x4f: {  	_ =	shalt  }
0x50: {  	_ =	shalt  }
0x51: {  	_ =	shalt  }
0x52: {  	_ =	shalt  }
0x53: {  	_ =	shalt  }
0x54: {  	_ =	shalt  }
0x55: {  	_ =	shalt  }
0x56: {  	_ =	shalt  }
0x57: {  	_ =	shalt  }
0x58: {  	_ =	shalt  }
0x59: {  	_ =	shalt  }
0x5a: {  	_ =	shalt  }
0x5b: {  	_ =	shalt  }
0x5c: {  	_ =	shalt  }
0x5d: {  	_ =	shalt  }
0x5e: {  	_ =	shalt  }
0x5f: {  	_ =	shalt  }
0x60: {  	_ =	shalt  }
0x61: {  	_ =	shalt  }
0x62: {  	_ =	shalt  }
0x63: {  	_ =	shalt  }
0x64: {  	_ =	shalt  }
0x65: {  	_ =	shalt  }
0x66: {  	_ =	shalt  }
0x67: {  	_ =	shalt  }
0x68: {  	_ =	shalt  }
0x69: {  	_ =	shalt  }
0x6a: {  	_ =	shalt  }
0x6b: {  	_ =	shalt  }
0x6c: {  	_ =	shalt  }
0x6d: {  	_ =	shalt  }
0x6e: {  	_ =	shalt  }
0x6f: {  	_ =	shalt  }
0x70: {  	_ =	shalt  }
0x71: {  	_ =	shalt  }
0x72: {  	_ =	shalt  }
0x73: {  	_ =	shalt  }
0x74: {  	_ =	shalt  }
0x75: {  	_ =	shalt  }
0x76: {  	_ =	shalt  }
0x77: {  	_ =	shalt  }
0x78: {  	_ =	shalt  }
0x79: {  	_ =	shalt  }
0x7a: {  	_ =	shalt  }
0x7b: {  	_ =	shalt  }
0x7c: {  	_ =	shalt  }
0x7d: {  	_ =	shalt  }
0x7e: {  	_ =	shalt  }
0x7f: {  	_ =	shalt  }
0x80: {  	_ =	shalt  }
0x81: {  	_ =	shalt  }
0x82: {  	_ =	shalt  }
0x83: {  	_ =	shalt  }
0x84: {  	_ =	shalt  }
0x85: {  	_ =	shalt  }
0x86: {  	_ =	shalt  }
0x87: {  	_ =	shalt  }
.Lfunc_end0:
.L_simem_size_0:
called_computation_lowered:
.L_overlay_start_0:
0x88: {  	s2 =	sld [smem:$0x3FD9]  }
0x89: {  	s3 =	sld [smem:$0x3FFE];
	_ =	sdelay $0x1  }
0x8a: {  	s1 =	srdreg.scid  }
0x8b: {  	s0 =	sand.u32 $0x1, s1  }
0x8c: {  	s17 =	sshll.u32 s0, $0xA;
	s2 =	sadd.s32 s3, s2  }
0x8d: {  	s2 =	sadd.s32 s2, s17  }
0x8e: {  	[smem:$0x3FC4] =	sst s2  }
0x8f: {  	_ = 	snop  }
0x90: {  	s2 =	sld [smem:$0x3FC7]  }
0x91: {  	s18 =	sld [smem:$0x3FC6];
	(tm) =	ssettm $0x1  }
0x92: {  	s4 =	sld [smem:$0x3FFB];
	_ =	sdelay $0x3  }
0x93: {  	_ =	strace s4  }
0x94: {  	s4 =	sld [smem:$0x3FFC];
	_ =	sdelay $0x3  }
0x95: {  	_ =	strace s4  }
0x96: {  	s4 =	sld [smem:$0x3FFD];
	_ =	sdelay $0x3  }
0x97: {  	_ =	strace s4  }
0x98: {  	_ =	strace $0x8FFFFFFF  }
0x99: {  	s19 =	sld [smem:$0x3FDB];
	_ =	sdelay $0x1  }
0x9a: {  	s5 =	simm.s32 $_scs_section_size  }
0x9b: {  	s6 =	simm.s32 $_size__tile_overlayer_lowered;
	s7 =	simm.s32 $_tile_overlayer_lowered  }
0x9c: {  	s22 =	simm.s32 $0x1BFF;
	s21 =	sshll.u32 s7, $0x1;
	s4 =	sadd.s32 s5, s19  }
0x9d: {  	s8 =	simm.s32 $0x0;
	s20 =	sshll.u32 s6, $0x1;
	s6 =	sadd.s32 s21, s4  }
0x9e: {  	[timem:s8], [sflag:s22] =	dma.local [hbm:s6], s20  }
0x9f: {  	_ =	swait.ge [sflag:s22], s20  }
0xa0: {  	s5 =	ssub.s32 $0x0, s20;
	[sflag:s22] =	ssyncset.done $0x0  }
0xa1: {  	[sflag:s22] =	ssyncadd.s32 s5;
	_ =	sdelay $0x1  }
0xa2: {  	s23 =	simm.s32 $0x1B8B  }
0xa3: {  	_ =	swait.ge [sflag:s23], $0x1  }
0xa4: {  	[sflag:s23] =	ssyncset.done $0x0  }
0xa5: {  	s25 =	simm.s32 $0x1B8E;
	s24 =	sld [smem:$0x3FFE];
	[sflag:s23] =	ssyncadd.s32 $0xFFFFFFFF  }
0xa6: {  	s26 =	simm.s32 $execute0_lowered;
	[smem:$0x3FD2] =	sst s25  }
0xa7: {  	s6 =	sshll.u32 s26, $0x1;
	_ =	strace $0x80000046;
	[dreg:$0x1] =	wrdreg $0xFFFFFFFF  }
0xa8: {  	s28 =	simm.s32 $_size_execute0_lowered;
	s4 =	sadd.s32 s4, s6;
	[dreg:$0x0] =	wrdreg $0x0  }
0xa9: {  	s6 =	sshll.u32 s28, $0x1;
	[dreg:$0x2] =	wrdreg s4  }
0xaa: {  	[dreg:$0x3] =	wrdreg s6  }
0xab: {  	[dreg:$0x4] =	wrdreg $0xC0  }
0xac: {  	_ =	task [dreg:s8], $0x5FFFF  }
0xad: {  	[dreg:$0x1] =	wrdreg $0xFFFFFFFF  }
0xae: {  	[dreg:$0x0] =	wrdreg $0x60  }
0xaf: {  	[dreg:$0x2] =	wrdreg s2  }
0xb0: {  	[dreg:$0x3] =	wrdreg s18  }
0xb1: {  	[dreg:$0x4] =	wrdreg s24  }
0xb2: {  	[dreg:$0x5] =	wrdreg $0x9  }
0xb3: {  	_ =	task.clear_ibuf [dreg:s8], $0x6FFFF;
	_ =	strace $0x90000046  }
0xb4: {  	s29 =	simm.s32 $0x9;
	_ =	strace $0x80000048  }
0xb5: {  	_ =	swait.ge [sflag:s29], $0x1  }
0xb6: {  	[sflag:s29] =	ssyncadd.s32 $0xFFFFFFFF  }
0xb7: {  	_ =	strace $0x90000048  }
0xb8: {  	_ =	sfence  }
0xb9: {  	s30 =	sld [smem:$0x0];
	_ =	sdelay $0x2  }
0xba: {  	s31 =	sshll.u32 s1, $0xD;
	s1 =	sshrl.u32 s1, $0x2  }
0xbb: {  	s3 =	sand.u32 $0x4000, s31;
	s1 =	sadd.s32 s1, s30  }
0xbc: {  	s0 =	sor.u32 s3, s0;
	s1 =	sshll.u32 s1, $0x11  }
0xbd: {  	s0 =	sor.u32 s1, s0  }
0xbe: {  	s0 =	sadd.s32 $0x8F2B, s0  }
0xbf: {  	[sflag:s0] =	ssyncadd.remote.s32 $0x1  }
0xc0: {  	_ =	sfence.sel $0xFFFF  }
0xc1: {  	[dreg:$0x0] =	wrdreg $0xFFFFFFFF;
	(pc) =	sbr.abs _section_cstart, $3  }
0xc2: {  	[dreg:$0x1] =	wrdreg $0xFFFFFFFF  }
0xc3: {  	_ =	task.clear_ibuf [dreg:s8], $0x2FFFF;
	_ =	strace $0x9FFFFFFF  }
0xc4: {  	(tm) =	ssettm $0x7FFFFFFF  }
0xc5: {  	_ =	shalt  }
tec
execute0_lowered:
.L_overlay_start_1:
0x0: {  	(tag) =	ssettag $0x1  }
0x1: {  	s1 =	rddreg [dreg:$0x0]  }
0x2: {  	s2 =	rddreg [dreg:$0x1]  }
0x3: {  	s5 =	rddreg [dreg:$0x2];
	s3 =	srdreg.scid  }
0x4: {  	s0 =	rddreg [dreg:$0x3];
	s4 =	simm.s32 $0x0;
	s11 =	simm.s32 $0x400  }
0x5: {  	s12 =	simm.s32 $0x0;
	s9 =	sand.u32 $0x1, s3;
	s3 =	stileid.u32  }
0x6: {  	[smem:$0x7FF] =	sst s4;
	s6 =	sshll.u32 s9, $0xF;
	s30 =	sshll.u32 s3, $0xB  }
0x7: {  	s7 =	ssub.s32 $0x2, s9;
	s8 =	sshll.u32 s3, $0x4;
	_ =	strace $0x80000047  }
.Ltmp0:
0x8: {  	p0 =	seq.s32 s9, $0x0;
	s9 =	simm.s32 $0x8080;
	(pc) =	sbr.rel .LBB2_1-.Ltmp0, $4  }
0x9: {  	s5 =	sadd.s32 s6, s5;
	s6 =	sand.u32 $0x4000, s30;
	s10 =	sshrl.u32 s7, $0x1  }
0xa: {  	s8 =	sand.u32 $0x70, s8;
	s5 =	sadd.s32 s6, s5;
	s31 =	ssub.s32 s7, s10  }
0xb: {  	v1 =	vimm.f32 $0.0e+00;
	s7 =	simm.s32 $0x1;
	s10 =	simm.s32 $0x80;
	s5 =	sadd.s32 s8, s5  }
0xc: {  	v2 =	vimm.f32 $1.000000000e+00;
	v3 =	vlaneseq.u32;
	v0 =	vmov s3;
	s6 =	smax.u32 s31, $0x1;
	s8 =	simm.s32 $0x4000;
	s5 =	sadd.s32 $0x800, s5  }
.LBB2_6:
0xd: {  	vm0 =	vlt.s32 v7, v4;
	v63 =	vadd.s32 s14, v3  }
0xe: {  	vm1 =	vlt.s32 v63, v4;
	_ =	sdelay $0x4  }
0xf: {  	[tilespmem:v5+s9+$0x0] =	vst.idx.add.f32.msk vm0, v2  }
0x10: {  	[tilespmem:v6+s9+$0x0] =	vst.idx.add.f32.msk vm1, v2  }
.LBB2_7:
0x11: {  	s12 =	sadd.s32 $0x1, s12  }
0x12: {  	p1 =	sne.s32 s12, s6  }
.Ltmp1:
0x13: {  	_ = 	snop;
	(pc) =	sbr.rel @!p1 .LBB2_8-.Ltmp1, $4  }
0x14: {  	[hbm4b:s5+s10] =	stream.strided.scatter [tilespmem:s9], [sflag:$0x1], $0x4000, s11, s10, $0x38;
	[tilespmem:$0xC080] =	vst v63  }
0x15: {  	_ =	swait.ge [sflag:s7], $0x4000  }
0x16: {  	[sflag:s7] =	ssyncset.done $0x0  }
0x17: {  	[sflag:s7] =	ssyncadd.s32 $0xFFFFC000  }
.LBB2_1:
0x18: {  	[tilespmem:s4], [sflag:$0x1] =	stream.linear.gather [hbm4b:s2+s4], $0x4000, $0x38;
	[tilespmem:$0xC080] =	vst v63  }
0x19: {  	_ =	swait.ge [sflag:s7], $0x4000  }
0x1a: {  	[sflag:s7] =	ssyncset.done $0x0  }
0x1b: {  	[sflag:s7] =	ssyncadd.s32 $0xFFFFC000  }
0x1c: {  	[tilespmem:s8], [sflag:$0x1] =	stream.linear.gather [hbm4b:s1+s4], $0x4000, $0x38;
	[tilespmem:$0xC080] =	vst v63  }
0x1d: {  	_ =	swait.ge [sflag:s7], $0x4000  }
0x1e: {  	[sflag:s7] =	ssyncset.done $0x0  }
0x1f: {  	s13 =	simm.s32 $0x40;
	[sflag:s7] =	ssyncadd.s32 $0xFFFFC000  }
0x20: {  	s14 =	simm.s32 $0x80C0;
	v4 =	vld [tilespmem:s13+$0xFFFFFFC0]  }
0x21: {  	[tilespmem:s14+$0xFFFFFFC0] =	vst v1  }
0x22: {  	v5 =	vld [tilespmem:s13+$0xFFFFFFD0];
	[tilespmem:s14+$0xFFFFFFD0] =	vst v1  }
0x23: {  	v6 =	vld [tilespmem:s13+$0xFFFFFFE0]  }
0x24: {  	[tilespmem:s14+$0xFFFFFFE0] =	vst v1  }
0x25: {  	v7 =	vld [tilespmem:s13+$0xFFFFFFF0];
	[tilespmem:s14+$0xFFFFFFF0] =	vst v1;
	vm0 =	vlt.s32 v4, v0  }
0x26: {  	v8 =	vld [tilespmem:s13+$0x0];
	vm1 =	vgt.s32 v4, v0;
	v4 =	vsel vm0, $0x3F800000, v1  }
0x27: {  	[tilespmem:s14+$0x0] =	vst v1;
	v10 =	vsel vm1, $0x0, v2;
	vm0 =	vlt.s32 v5, v0;
	vm1 =	vgt.s32 v5, v0  }
0x28: {  	v9 =	vld [tilespmem:s13+$0x10];
	[tilespmem:s14+$0x10] =	vst v1;
	v5 =	vsel vm0, $0x3F800000, v1;
	v11 =	vsel vm1, $0x0, v2;
	vm1 =	vlt.s32 v6, v0  }
0x29: {  	v12 =	vld [tilespmem:s13+$0x20];
	vm2 =	vgt.s32 v6, v0;
	v10 =	vadd.f32 v10, v1;
	v19 =	vadd.f32 v4, v1  }
0x2a: {  	vm3 =	vlt.s32 v7, v0;
	vm0 =	vgt.s32 v7, v0;
	v7 =	vsel vm2, $0x0, v2  }
0x2b: {  	[tilespmem:s14+$0x20] =	vst v1;
	v14 =	vsel vm1, $0x3F800000, v1;
	v13 =	vsel vm3, $0x3F800000, v1;
	vm2 =	vlt.s32 v8, v0  }
0x2c: {  	s31 =	simm.s32 $0xC0;
	v6 =	vld [tilespmem:s13+$0x30];
	[tilespmem:s14+$0x30] =	vst v1;
	v10 =	vadd.f32 v11, v10;
	v11 =	vadd.f32 v5, v19;
	v15 =	vsel vm2, $0x3F800000, v1  }
0x2d: {  	s13 =	simm.s32 $0x8140;
	vm2 =	vgt.s32 v8, v0;
	vm1 =	vlt.s32 v9, v0;
	vm3 =	vgt.s32 v9, v0;
	v8 =	vld [tilespmem:s31+$0xFFFFFFC0]  }
0x2e: {  	[tilespmem:s13+$0xFFFFFFC0] =	vst v1;
	v9 =	vsel vm2, $0x0, v2;
	v16 =	vsel vm3, $0x0, v2;
	vm2 =	vlt.s32 v12, v0  }
0x2f: {  	vm3 =	vgt.s32 v12, v0;
	v12 =	vld [tilespmem:s31+$0xFFFFFFD0];
	v10 =	vadd.f32 v7, v10;
	v11 =	vadd.f32 v14, v11  }
0x30: {  	[tilespmem:s13+$0xFFFFFFD0] =	vst v1;
	v14 =	vsel vm0, $0x0, v2;
	v22 =	vsel vm1, $0x3F800000, v1;
	v17 =	vsel vm2, $0x3F800000, v1  }
0x31: {  	v18 =	vsel vm3, $0x0, v2;
	vm2 =	vlt.s32 v6, v0;
	vm3 =	vgt.s32 v6, v0;
	v20 =	vld [tilespmem:s31+$0xFFFFFFE0];
	[tilespmem:s13+$0xFFFFFFE0] =	vst v1  }
0x32: {  	v4 =	vsel vm2, $0x3F800000, v1;
	v6 =	vsel vm3, $0x0, v2;
	v19 =	vld [tilespmem:s31+$0xFFFFFFF0];
	vm2 =	vlt.s32 v8, v0  }
0x33: {  	[tilespmem:s13+$0xFFFFFFF0] =	vst v1;
	v11 =	vadd.f32 v13, v11;
	vm3 =	vgt.s32 v8, v0;
	v5 =	vsel vm2, $0x3F800000, v1  }
0x34: {  	v21 =	vld [tilespmem:s31+$0x0];
	[tilespmem:s13+$0x0] =	vst v1;
	vm2 =	vlt.s32 v12, v0;
	vm0 =	vgt.s32 v12, v0;
	v12 =	vadd.f32 v14, v10  }
0x35: {  	v63 =	vld [tilespmem:s31+$0x10];
	v11 =	vadd.f32 v15, v11;
	v8 =	vsel vm3, $0x0, v2;
	v7 =	vsel vm2, $0x3F800000, v1  }
0x36: {  	v10 =	vsel vm0, $0x0, v2;
	vm1 =	vlt.s32 v20, v0;
	v13 =	vadd.f32 v9, v12  }
0x37: {  	[tilespmem:s13+$0x10] =	vst v1;
	vm2 =	vgt.s32 v20, v0;
	vm3 =	vlt.s32 v19, v0;
	vm0 =	vgt.s32 v19, v0  }
0x38: {  	v14 =	vld [tilespmem:s31+$0x20];
	v12 =	vsel vm2, $0x0, v2;
	v19 =	vadd.f32 v22, v11;
	v16 =	vadd.f32 v16, v13  }
0x39: {  	[tilespmem:s13+$0x20] =	vst v1;
	v9 =	vsel vm3, $0x3F800000, v1;
	vm2 =	vgt.s32 v21, v0;
	v13 =	vsel vm1, $0x3F800000, v1  }
0x3a: {  	v15 =	vld [tilespmem:s31+$0x30];
	vm1 =	vlt.s32 v21, v0;
	vm3 =	vgt.s32 v63, v0;
	v16 =	vadd.f32 v18, v16  }
0x3b: {  	s15 =	simm.s32 $0x140;
	s14 =	simm.s32 $0x8;
	[tilespmem:s13+$0x30] =	vst v1;
	v17 =	vadd.f32 v17, v19;
	v11 =	vsel vm1, $0x3F800000, v1;
	vm1 =	vlt.s32 v63, v0  }
.LBB2_2:
0x3c: {  	v18 =	vld [tilespmem:s15+$0xFFFFFFC0];
	s14 =	sadd.s32 $0x8, s14;
	v19 =	vsel vm2, $0x0, v2;
	v20 =	vsel vm3, $0x0, v2;
	s13 =	sadd.s32 $0x80, s13;
	v6 =	vadd.f32 v6, v16  }
0x3d: {  	[tilespmem:s13+$0xFFFFFFC0] =	vst v1;
	p1 =	slt.u32 s14, $0x3F8;
	vm2 =	vlt.s32 v14, v0;
	vm3 =	vgt.s32 v14, v0;
	v4 =	vadd.f32 v4, v17  }
0x3e: {  	v14 =	vld [tilespmem:s15+$0xFFFFFFD0];
	v6 =	vadd.f32 v8, v6;
	v17 =	vsel vm2, $0x3F800000, v1;
	v16 =	vsel vm3, $0x0, v2  }
0x3f: {  	[tilespmem:s13+$0xFFFFFFD0] =	vst v1;
	v5 =	vadd.f32 v5, v4;
	vm2 =	vlt.s32 v15, v0;
	vm3 =	vgt.s32 v15, v0  }
0x40: {  	v15 =	vld [tilespmem:s15+$0xFFFFFFE0];
	v10 =	vadd.f32 v10, v6;
	v4 =	vsel vm2, $0x3F800000, v1;
	v6 =	vsel vm3, $0x0, v2  }
0x41: {  	vm2 =	vlt.s32 v18, v0;
	vm3 =	vgt.s32 v18, v0;
	[tilespmem:s13+$0xFFFFFFE0] =	vst v1;
	v7 =	vadd.f32 v7, v5  }
0x42: {  	v5 =	vsel vm2, $0x3F800000, v1;
	v8 =	vsel vm3, $0x0, v2;
	v18 =	vld [tilespmem:s15+$0xFFFFFFF0];
	v10 =	vadd.f32 v12, v10  }
0x43: {  	vm2 =	vlt.s32 v14, v0;
	[tilespmem:s13+$0xFFFFFFF0] =	vst v1;
	v12 =	vadd.f32 v13, v7;
	v13 =	vsel vm0, $0x0, v2  }
0x44: {  	vm0 =	vgt.s32 v14, v0;
	v7 =	vsel vm2, $0x3F800000, v1;
	v21 =	vld [tilespmem:s15+$0x0];
	v13 =	vadd.f32 v13, v10  }
0x45: {  	v22 =	vsel vm1, $0x3F800000, v1;
	v10 =	vsel vm0, $0x0, v2;
	[tilespmem:s13+$0x0] =	vst v1;
	v9 =	vadd.f32 v9, v12  }
0x46: {  	vm1 =	vlt.s32 v15, v0;
	vm2 =	vgt.s32 v15, v0;
	v23 =	vld [tilespmem:s15+$0x10];
	v13 =	vadd.f32 v19, v13  }
.Ltmp2:
0x47: {  	vm3 =	vlt.s32 v18, v0;
	vm0 =	vgt.s32 v18, v0;
	[tilespmem:s13+$0x10] =	vst v1;
	v11 =	vadd.f32 v11, v9;
	(pc) =	sbr.rel @p1 .LBB2_2-.Ltmp2, $4  }
0x48: {  	v12 =	vsel vm2, $0x0, v2;
	v9 =	vsel vm3, $0x3F800000, v1;
	v14 =	vld [tilespmem:s15+$0x20];
	v18 =	vadd.f32 v20, v13  }
0x49: {  	v13 =	vsel vm1, $0x3F800000, v1;
	vm1 =	vlt.s32 v21, v0;
	[tilespmem:s13+$0x20] =	vst v1;
	v19 =	vadd.f32 v22, v11  }
0x4a: {  	vm2 =	vgt.s32 v21, v0;
	v11 =	vsel vm1, $0x3F800000, v1;
	v15 =	vld [tilespmem:s15+$0x30];
	v16 =	vadd.f32 v16, v18  }
0x4b: {  	s15 =	sadd.s32 $0x80, s15;
	vm1 =	vlt.s32 v23, v0;
	vm3 =	vgt.s32 v23, v0;
	[tilespmem:s13+$0x30] =	vst v1;
	v17 =	vadd.f32 v17, v19  }
0x4c: {  	_ = 	snop  }
0x4d: {  	v4 =	vadd.f32 v4, v17  }
0x4e: {  	v6 =	vadd.f32 v6, v16  }
0x4f: {  	v4 =	vadd.f32 v5, v4  }
0x50: {  	v5 =	vadd.f32 v8, v6  }
0x51: {  	v4 =	vadd.f32 v7, v4  }
0x52: {  	v5 =	vadd.f32 v10, v5  }
0x53: {  	v4 =	vadd.f32 v13, v4  }
0x54: {  	v5 =	vadd.f32 v12, v5  }
0x55: {  	v56 =	vsel vm0, $0x0, v2;
	v4 =	vadd.f32 v9, v4  }
0x56: {  	v5 =	vadd.f32 v56, v5  }
0x57: {  	v57 =	vsel vm2, $0x0, v2;
	v4 =	vadd.f32 v11, v4  }
0x58: {  	v58 =	vsel vm1, $0x3F800000, v1;
	v5 =	vadd.f32 v57, v5  }
0x59: {  	v59 =	vsel vm3, $0x0, v2;
	vm12 =	vlt.s32 v14, v0;
	v4 =	vadd.f32 v58, v4  }
0x5a: {  	vm13 =	vgt.s32 v14, v0;
	v60 =	vsel vm12, $0x3F800000, v1;
	v5 =	vadd.f32 v59, v5  }
0x5b: {  	v61 =	vsel vm13, $0x0, v2;
	vm14 =	vlt.s32 v15, v0;
	v4 =	vadd.f32 v60, v4  }
0x5c: {  	vm15 =	vgt.s32 v15, v0;
	v62 =	vsel vm14, $0x3F800000, v1;
	v5 =	vadd.f32 v61, v5  }
0x5d: {  	v63 =	vsel vm15, $0x0, v2;
	v4 =	vadd.f32 v62, v4  }
0x5e: {  	v5 =	vadd.f32 v63, v5  }
0x5f: {  	(xrf2) =	vadd.scan.msk.f32 $0xffff, v4  }
0x60: {  	(xrf2) =	vadd.scan.msk.f32 $0xffff, v5;
	_ =	sdelay $0x8  }
0x61: {  	v4, _, _ =	vpop (xrf2)  }
0x62: {  	(v2sf) =	vpush v4, $0xF;
	v4, _, _ =	vpop (xrf2)  }
0x63: {  	(v2sf) =	vpush v4, $0xF;
	_ =	sdelay $0xd  }
0x64: {  	s13 =	spop (v2sf)  }
0x65: {  	s14 =	spop (v2sf)  }
0x66: {  	s15 =	scvt.f32.s32 s13;
	s13 =	scvt.f32.s32 s14  }
0x67: {  	_ = 	snop  }
0x68: {  	s14 =	sadd.s32 s15, s13  }
0x69: {  	s16 =	sand.u32 $0x1, s14  }
0x6a: {  	p1 =	slt.s32 s14, $0x1;
	p2 =	seq.s32 s16, $0x1  }
0x6b: {  	s29 =	sshrl.u32 s14, $0x1F;
	p1 =	por !p1, !p2  }
0x6c: {  	s14 =	sadd.s32 s29, s14;
	s16 =	simm.s32 $0x1;
	p1 =	por !p1, !p1  }
0x6d: {  	s14 =	sshra.s32 s14, $0x1;
	s16 =	simm.s32 @!p1 $0x0  }
0x6e: {  	s14 =	ssub.s32 s14, s16  }
0x6f: {  	s13 =	smov.u32 @p0 s14;
	s14 =	smov.u32 @p0 s15  }
0x70: {  	s15 =	ssub.s32 s13, s14  }
0x71: {  	s15 =	sadd.s32 $0x1F, s15  }
0x72: {  	s30 =	sand.u32 $0x1F, s15  }
0x73: {  	s31 =	sshra.s32 s15, $0x1F;
	p6 =	slt.s32 s15, $0x1;
	p5 =	sne.s32 s30, $0x0  }
0x74: {  	s16 =	sshrl.u32 s31, $0x1B;
	p1 =	por !p6, !p5  }
0x75: {  	s15 =	sadd.s32 s16, s15;
	s16 =	simm.s32 $0x1;
	p1 =	por !p1, !p1  }
0x76: {  	s15 =	sshra.s32 s15, $0x5;
	s16 =	simm.s32 @!p1 $0x0  }
0x77: {  	s16 =	ssub.s32 s15, s16  }
0x78: {  	p1 =	slt.s32 s16, $0x1  }
.Ltmp3:
0x79: {  	_ = 	snop;
	(pc) =	sbr.rel @p1 .LBB2_7-.Ltmp3, $1  }
0x7a: {  	_ =	sdelay $0x3  }
0x7b: {  	p1 =	sne.s32 s16, $0x1  }
.Ltmp4:
0x7c: {  	s15 =	sshll.u32 s14, $0x2;
	(pc) =	sbr.rel @!p1 .LBB2_6-.Ltmp4, $4  }
0x7d: {  	s15 =	sshra.s32 s15, $0x2  }
0x7e: {  	s14 =	sadd.s32 $0x10, s14;
	s15 =	sadd.s32 $0x4010, s15  }
0x7f: {  	s17 =	sadd.s32 $0xFFFFFFF0, s14;
	v5 =	vld [tilespmem:s15+$0xFFFFFFF0]  }
0x80: {  	v4 =	vmov s13;
	s13 =	sadd.s32 $0xFFFFFFFF, s16;
	v7 =	vadd.s32 s17, v3;
	v6 =	vld [tilespmem:s15+$0x0]  }
.LBB2_5:
0x81: {  	p1 =	sne.s32 s13, $0x1;
	vm0 =	vlt.s32 v7, v4;
	v7 =	vadd.s32 s14, v3  }
0x82: {  	vm1 =	vlt.s32 v7, v4;
	_ =	sdelay $0x3  }
.Ltmp5:
0x83: {  	(pc) =	sbr.rel @p1 .LBB2_5-.Ltmp5, $4  }
0x84: {  	[tilespmem:v5+s9+$0x0] =	vst.idx.add.f32.msk vm0, v2  }
0x85: {  	s15 =	sadd.s32 $0x20, s15;
	s14 =	sadd.s32 $0x20, s14;
	[tilespmem:v6+s9+$0x0] =	vst.idx.add.f32.msk vm1, v2  }
0x86: {  	s16 =	sadd.s32 $0xFFFFFFF0, s14;
	v5 =	vld [tilespmem:s15+$0xFFFFFFF0]  }
0x87: {  	s13 =	sadd.s32 $0xFFFFFFFF, s13;
	v7 =	vadd.s32 s16, v3;
	v6 =	vld [tilespmem:s15+$0x0]  }
.Ltmp6:
0x88: {  	_ = 	snop;
	(pc) =	sbr.rel .LBB2_6-.Ltmp6, $1  }
0x89: {  	_ =	sdelay $0x3  }
.LBB2_8:
0x8a: {  	_ =	sfence.sel $0x180000  }
0x8b: {  	[bflag:$0x0] =	sbarrier.arrive $0xFFFF  }
0x8c: {  	p0 =	sne.s32 s3, $0x0;
	_ =	strace $0x90000047  }
0x8d: {  	s0 =	sadd.s32 @!p0 $0x100000, s0;
	[bflag:$0x2] =	sbarrier.arrive $0xFFFF  }
0x8e: {  	[sflag:s0] =	ssyncadd.tile.s32 @!p0 $0x1;
	_ =	shalt  }
.Lfunc_end2:
_tile_overlayer_lowered:
.L_overlay_start_2:
0x8f: {  	(tag) =	ssettag $0x2  }
0x90: {  	s0 =	rddreg [dreg:$0x0];
	s2 =	stileid.u32  }
0x91: {  	s1 =	rddreg [dreg:$0x1];
	p0 =	sne.s32 s2, $0x0  }
0x92: {  	s3 =	rddreg [dreg:$0x2];
	[bflag:$0x3] =	sbarrier.arrive $0xFFFF;
	s2 =	simm.s32 @!p0 $0x1C01  }
0x93: {  	[timem:s3], [sflag:s2] =	dma.local @!p0 [hbm:s0], s1  }
0x94: {  	s0 =	simm.s32 @!p0 $0x1  }
0x95: {  	_ =	swait.ge @!p0 [sflag:s0], s1  }
0x96: {  	s1 =	ssub.s32 @!p0 $0x0, s1;
	[sflag:s0] =	ssyncset.done @!p0 $0x0  }
0x97: {  	[sflag:s0] =	ssyncadd.s32 @!p0 s1  }
0x98: {  	[bflag:$0x3] =	sbarrier.arrive $0xFFFF  }
0x99: {  	_ =	shalt  }

</sc_bundles>
